<compile_context>
chip_gen: v7x
topology: tpu7x:2x2x1
jax: 0.10.2.dev20260603
libtpu: 0.0.44.dev20260713+nightly
codegen_flags: <defaults>
</compile_context>

<pallas_src>
import functools
import math

import jax
import jax.numpy as jnp
import numpy as np
from jax import lax
from jax.experimental import pallas as pl
from jax.experimental.pallas import tpu as pltpu
from jax.experimental.pallas import tpu_sc as plsc

H, W = 135, 240
HW = H * W
R = 3600
D = 512
NUM_CLASSES = 19
NEIB = 9
CPAD = 128
CTC = 32
FULL_ROW, FULL_COL = 1080, 1920
FULL = FULL_ROW * FULL_COL
BLK = 600
GRID = R // BLK
NC, NS = 2, 16
NW = NC * NS
RPAD = 3840
B_PER_W = RPAD // NW
REGION = FULL // NW
NEG = -1e30
BIG = 3e38

def _sample_index_expr():
    return jnp.sort(jax.random.permutation(jax.random.key(42), HW)[:R])


def _compute_sample_index():
    try:
        cpu = jax.local_devices(backend="cpu")[0]
        with jax.default_device(cpu):
            return np.asarray(_sample_index_expr(), dtype=np.int32)
    except Exception:
        pass
    try:
        return np.asarray(_sample_index_expr(), dtype=np.int32)
    except Exception:
        return None


_SAMPLE_INDEX = _compute_sample_index()

_MESH = dict(core_axis_name="c", subcore_axis_name="s")


def _sc_gather(feats_hw, cls_hw, idx_pad):

    @functools.partial(
        pl.kernel,
        out_type=[jax.ShapeDtypeStruct((RPAD, D), jnp.float32),
                  jax.ShapeDtypeStruct((RPAD,), jnp.int32)],
        mesh=plsc.VectorSubcoreMesh(**_MESH),
        scratch_types=[pltpu.VMEM((128,), jnp.int32),
                       pltpu.VMEM((B_PER_W, D), jnp.float32),
                       pltpu.VMEM((HW,), jnp.int32),
                       pltpu.VMEM((128,), jnp.int32),
                       pltpu.SemaphoreType.DMA],
        compiler_params=pltpu.CompilerParams(needs_layout_passes=False),
    )
    def gk(feats_hbm, cls_hbm, idx_hbm, out_f, out_c, idx_v, rows_f,
           table_v, res_v, sem_f):
        wid = lax.axis_index("s") * NC + lax.axis_index("c")
        base = pl.multiple_of(wid * B_PER_W, B_PER_W)
        idx_v[pl.ds(112, 16)] = jnp.zeros((16,), jnp.int32)
        pltpu.sync_copy(idx_hbm.at[pl.ds(base, B_PER_W)], idx_v.at[pl.ds(0, B_PER_W)])
        cp_f = pltpu.async_copy(feats_hbm.at[idx_v.at[pl.ds(0, B_PER_W)]],
                                rows_f, sem_f)
        pltpu.sync_copy(cls_hbm, table_v)
        for j in range(8):
            res_v[pl.ds(j * 16, 16)] = plsc.load_gather(
                table_v, [idx_v[pl.ds(j * 16, 16)]])
        pltpu.sync_copy(res_v.at[pl.ds(0, B_PER_W)],
                        out_c.at[pl.ds(base, B_PER_W)])
        cp_f.wait()
        pltpu.sync_copy(rows_f, out_f.at[pl.ds(base, B_PER_W)])

    return gk(feats_hw, cls_hw, idx_pad)


def _cls_body(out_ref, cls_ref):
    Lg = out_ref[...]
    row = lax.broadcasted_iota(jnp.int32, (NUM_CLASSES, HW), 0)
    colmax = jnp.max(Lg, axis=0, keepdims=True)
    cls_ref[...] = jnp.min(jnp.where(Lg == colmax, row, NUM_CLASSES),
                           axis=0, keepdims=True)


def _tc_classids(outputs_hw):
    return pl.pallas_call(
        _cls_body,
        out_shape=jax.ShapeDtypeStruct((1, HW), jnp.int32),
    )(outputs_hw)


def _tc_body(feats_ref, cls_ref, protos_ref, pur_ref, ent_ref):
    i = pl.program_id(0)
    K = feats_ref[:R, :]
    Q = feats_ref[pl.ds(i * BLK, BLK), :]
    ones_row = jnp.ones((1, D), jnp.float32)
    dn = (((1,), (1,)), ((), ()))
    hi = lax.Precision.HIGHEST

    mm = lax.dot_general(Q, K, dn)
    qn = jnp.sum(Q * Q, axis=1, keepdims=True)
    kn = lax.dot_general(ones_row, K * K, dn, precision=hi)
    S = (-2.0 * mm + qn) + kn
    S = jnp.maximum(S, 1e-12)

    s_work = S
    m = jnp.min(s_work, axis=1, keepdims=True)
    for _ in range(NEIB - 1):
        s_work = jnp.where(s_work <= m, BIG, s_work)
        m = jnp.min(s_work, axis=1, keepdims=True)
    nmask = (S <= m).astype(jnp.bfloat16)

    colr = lax.broadcasted_iota(jnp.int32, (R, CTC), 1)
    onehot = (colr == cls_ref[:R, :]).astype(jnp.bfloat16)

    counts = lax.dot_general(nmask, onehot, (((1,), (0,)), ((), ())),
                             preferred_element_type=jnp.float32)
    total = jnp.sum(counts, axis=1, keepdims=True)
    frac = counts / total
    pur_ref[...] = (jnp.sum(-frac * jnp.log(frac + 1e-6), axis=1,
                            keepdims=True) / math.log(NUM_CLASSES))

    P = protos_ref[...]
    pn = lax.dot_general(ones_row, P * P, dn, precision=hi)
    disp = (-2.0 * lax.dot_general(Q, P, dn) + qn) + pn
    disp = jnp.maximum(disp, 1e-12)
    colq = lax.broadcasted_iota(jnp.int32, (BLK, CTC), 1)
    disp = jnp.where(colq < NUM_CLASSES, disp, BIG)
    cls_q = cls_ref[pl.ds(i * BLK, BLK), :]
    dpred = jnp.sum(jnp.where(colq == cls_q, disp, 0.0), axis=1,
                    keepdims=True)
    rank = jnp.sum((disp < dpred).astype(jnp.float32), axis=1, keepdims=True)
    ent_ref[...] = rank / float(NUM_CLASSES - 1)


def _tc_main(feats_sel, cls_sel, protos_pad):
    return pl.pallas_call(
        _tc_body,
        grid=(GRID,),
        in_specs=[pl.BlockSpec((RPAD, D), lambda i: (0, 0)),
                  pl.BlockSpec((RPAD, 1), lambda i: (0, 0)),
                  pl.BlockSpec((CTC, D), lambda i: (0, 0))],
        out_specs=[pl.BlockSpec((BLK, 1), lambda i: (i, 0)),
                   pl.BlockSpec((BLK, 1), lambda i: (i, 0))],
        out_shape=[jax.ShapeDtypeStruct((R, 1), jnp.float32),
                   jax.ShapeDtypeStruct((R, 1), jnp.float32)],
    )(feats_sel, cls_sel, protos_pad)


def _sc_scatter(pur, ent, idx):

    @functools.partial(
        pl.kernel,
        out_type=[jax.ShapeDtypeStruct((FULL,), jnp.float32),
                  jax.ShapeDtypeStruct((FULL,), jnp.float32)],
        mesh=plsc.VectorSubcoreMesh(**_MESH),
        scratch_types=[pltpu.VMEM((REGION,), jnp.float32),
                       pltpu.VMEM((R,), jnp.float32),
                       pltpu.VMEM((R,), jnp.int32)],
        compiler_params=pltpu.CompilerParams(needs_layout_passes=False),
    )
    def sk(pur_hbm, ent_hbm, idx_hbm, out_p, out_e, buf, vals, idxv):
        wid = lax.axis_index("s") * NC + lax.axis_index("c")

        def zero_chunk(i, carry):
            base = pl.multiple_of(i * 160, 160)
            for u in range(10):
                buf[pl.ds(base + u * 16, 16)] = jnp.zeros((16,), jnp.float32)
            return carry

        lax.fori_loop(0, REGION // 160, zero_chunk, 0)

        def scatter_into_buf(src_hbm):
            pltpu.sync_copy(idx_hbm, idxv)
            pltpu.sync_copy(src_hbm, vals)

            def body(j, carry):
                base = pl.multiple_of(j * 16, 16)
                plsc.store_scatter(buf, [idxv[pl.ds(base, 16)]],
                                   vals[pl.ds(base, 16)])
                return carry

            lax.fori_loop(0, R // 16, body, 0)

        own = pl.multiple_of(wid * REGION, REGION)

        @pl.when(wid >= 2)
        def _():
            pltpu.sync_copy(buf, out_p.at[pl.ds(own, REGION)])
            pltpu.sync_copy(buf, out_e.at[pl.ds(own, REGION)])

        @pl.when(wid == 0)
        def _():
            pltpu.sync_copy(buf, out_e.at[pl.ds(REGION, REGION)])
            scatter_into_buf(pur_hbm)
            pltpu.sync_copy(buf, out_p.at[pl.ds(0, REGION)])

        @pl.when(wid == 1)
        def _():
            pltpu.sync_copy(buf, out_p.at[pl.ds(REGION, REGION)])
            scatter_into_buf(ent_hbm)
            pltpu.sync_copy(buf, out_e.at[pl.ds(0, REGION)])

    return sk(pur, ent, idx)


def kernel(features_tensor, outputs, classes_prototypes):
    feats_hw = jnp.transpose(features_tensor[0], (1, 2, 0)).reshape(HW, D)
    cls_hw = _tc_classids(outputs[0].reshape(NUM_CLASSES, HW))
    protos = jnp.pad(classes_prototypes[0],
                     ((0, CTC - NUM_CLASSES), (0, 0)))
    if _SAMPLE_INDEX is not None:
        idx = jnp.asarray(_SAMPLE_INDEX)
    else:
        idx = _sample_index_expr().astype(jnp.int32)
    idx_pad = jnp.pad(idx, (0, RPAD - R))

    feats_sel, cls_sel = _sc_gather(feats_hw, cls_hw.reshape(HW), idx_pad)
    pur, ent = _tc_main(feats_sel, cls_sel.reshape(RPAD, 1), protos)

    full_p, full_e = _sc_scatter(pur.reshape(R), ent.reshape(R), idx)
    return (full_p.reshape(FULL_ROW, FULL_COL),
            full_e.reshape(FULL_ROW, FULL_COL))

# --- scband reference (transcript-rebuilt; emitter-appended) ---
"""Pipeline reference for scband-feature-space-purity-entropy-score-4166118277853 (READ-ONLY COPY).

The authoritative reference and input builder live on the scoring server;
editing this copy changes nothing except your own understanding.
"""

import jax, jax.numpy as jnp
import numpy as np
import math

ROW, COL = 45, 80
FULL_ROW, FULL_COL = 1080, 1920
R = ROW * COL            # 3600 sampled pixels
MB = 900                 # minibatch_size
MB_ITER = R // MB        # 4
NUM_CLASSES = 19
NEIB = 9


def setup_inputs(seed: int = 0) -> dict:
    key = jax.random.key(seed)
    k1, k2, k3 = jax.random.split(key, 3)
    features_tensor = jax.random.normal(k1, (1, 512, 135, 240), dtype=jnp.float32)
    outputs = jax.random.normal(k2, (1, NUM_CLASSES, 135, 240), dtype=jnp.float32)
    classes_prototypes = jax.random.normal(k3, (1, NUM_CLASSES, 512), dtype=jnp.float32)
    return {"features_tensor": features_tensor, "outputs": outputs, "classes_prototypes": classes_prototypes}


def _euclid3(t1, t2):
    # squared euclidean (dim==3 branch of the torch module: no sqrt, clamp min 1e-12)
    dist = -2.0 * jnp.matmul(t1, jnp.transpose(t2, (0, 2, 1)))
    dist = dist + jnp.sum(t1 ** 2, axis=-1)[:, :, None]
    dist = dist + jnp.sum(t2 ** 2, axis=-1)[:, None, :]
    return jnp.clip(dist, 1e-12, None)


def reference(features_tensor, outputs, classes_prototypes):
    b, c, h, w = features_tensor.shape
    # torch code uses random.sample(range(h*w), R) then sorts; use a fixed-key permutation for determinism
    skey = jax.random.key(42)
    sample_index = jnp.sort(jax.random.permutation(skey, h * w)[:R])
    feats = jnp.transpose(features_tensor, (0, 2, 3, 1)).reshape(1, h * w, 512)
    feats = jnp.take(feats, sample_index, axis=1)  # [1, R, 512]
    class_ids_hw = jnp.argmax(jax.nn.softmax(outputs[0], axis=0), axis=0).reshape(h * w)
    class_ids_sel = jnp.take(class_ids_hw, sample_index)  # [R]

    purity_parts = []
    entropy_parts = []
    for mb in range(MB_ITER):
        nb = feats[:, MB * mb:MB * (mb + 1), :]  # [1, MB, 512]
        dist = _euclid3(nb, feats)               # [1, MB, R]
        sorted_idx = jnp.argsort(dist, axis=2)[:, :, :NEIB]     # [1, MB, 9] kNN indices
        batch_class_ids = class_ids_sel[sorted_idx]             # [1, MB, 9]
        one_hot = jax.nn.one_hot(batch_class_ids, NUM_CLASSES)  # [1, MB, 9, 19]
        one_hot = jnp.transpose(one_hot, (0, 3, 1, 2))          # [1, 19, MB, 9]
        summary = jnp.sum(one_hot, axis=3, keepdims=True)       # [1, 19, MB, 1]
        region_count = jnp.sum(summary, axis=1, keepdims=True)  # [1, 1, MB, 1]
        d = summary / region_count
        impurity = jnp.sum(-d * jnp.log(d + 1e-06), axis=1, keepdims=True) / math.log(NUM_CLASSES)
        purity_parts.append(impurity[0, 0, :, 0])               # [MB]

        # disparity_mode == 'E': rank of predicted class among distance-sorted prototypes
        disp = _euclid3(nb, classes_prototypes)[0]               # [MB, 19]
        desc_idx = jnp.argsort(disp, axis=1)                     # [MB, 19]
        mini_cls = class_ids_sel[MB * mb:MB * (mb + 1)][:, None] # [MB, 1]
        match = (desc_idx == mini_cls).astype(jnp.int32)         # 1 where sorted class == predicted class
        rank = jnp.argmax(match, axis=1)                         # [MB]
        entropy_parts.append(rank.astype(jnp.float32) / float(NUM_CLASSES - 1))

    purity = jnp.concatenate(purity_parts)   # [R]
    entropy = jnp.concatenate(entropy_parts) # [R]
    full_p = jnp.zeros((FULL_ROW * FULL_COL,), jnp.float32).at[sample_index].set(purity)
    full_e = jnp.zeros((FULL_ROW * FULL_COL,), jnp.float32).at[sample_index].set(entropy)
    return (full_p.reshape(FULL_ROW, FULL_COL), full_e.reshape(FULL_ROW, FULL_COL))

if __name__ == "__main__":
    import jax
    _d = setup_inputs()
    print(jax.jit(kernel)(*tuple(_d.values())))

</pallas_src>

<mosaic_0001>
#map = affine_map<(d0, d1) -> (0)>
module attributes {stable_mosaic.version = 14 : i64} {
  func.func @sk(%arg0: i32, %arg1: i32, %arg2: memref<3600xf32, #tpu.memory_space<hbm>>, %arg3: memref<3600xf32, #tpu.memory_space<hbm>>, %arg4: memref<3600xi32, #tpu.memory_space<hbm>>, %arg5: memref<2073600xf32, #tpu.memory_space<hbm>>, %arg6: memref<2073600xf32, #tpu.memory_space<hbm>>, %arg7: memref<64800xf32, #tpu.memory_space<vmem>>, %arg8: memref<3600xf32, #tpu.memory_space<vmem>>, %arg9: memref<3600xi32, #tpu.memory_space<vmem>>) attributes {dimension_semantics = [#tpu.dimension_semantics<core_parallel>, #tpu.dimension_semantics<subcore_parallel>], iteration_bounds = array<i64: 2, 16>, scalar_prefetch = 0 : i64, scratch_operands = 3 : i64, tpu.core_type = #tpu.core_type<sc_vector_subcore>, window_params = [{transform_indices = #map}, {transform_indices = #map}, {transform_indices = #map}, {transform_indices = #map}, {transform_indices = #map}]} {
    %mul3A = arith.constant 2 : i32
    %mul3A_0 = arith.muli %arg1, %mul3A : i32
    %add3A = arith.addi %mul3A_0, %arg0 : i32
    %scan3A = arith.constant 0 : i32
    %scan3A_1 = arith.constant 0 : i32
    %scan3A_2 = arith.constant 405 : i32
    %scan3A_3 = arith.addi %scan3A_1, %scan3A_2 : i32
    %scan3A_4 = arith.constant 1 : i32
    scf.for %scan3A_19 = %scan3A_1 to %scan3A_3 step %scan3A_4  : i32 {
      %mul3A_20 = arith.constant 160 : i32
      %mul3A_21 = arith.muli %scan3A_19, %mul3A_20 : i32
      %multiple_of3A_22 = tpu.assume_multiple %mul3A_21, 160 : i32
      %broadcast_in_dim3A = arith.constant 0.000000e+00 : f32
      %broadcast_in_dim3A_23 = vector.broadcast %broadcast_in_dim3A : f32 to vector<16xf32>
      %add3A_24 = arith.constant 0 : i32
      %add3A_25 = arith.addi %multiple_of3A_22, %add3A_24 : i32
      %swap3A = arith.index_cast %add3A_25 : i32 to index
      %swap3A_26 = tpu.vector_load %arg7[%swap3A] {strides = array<i32>} : memref<64800xf32, #tpu.memory_space<vmem>>, vector<16xf32>,
      tpu.vector_store %arg7[%swap3A], %broadcast_in_dim3A_23 {strides = array<i32>} : memref<64800xf32, #tpu.memory_space<vmem>>, vector<16xf32>,
      %broadcast_in_dim3A_27 = arith.constant 0.000000e+00 : f32
      %broadcast_in_dim3A_28 = vector.broadcast %broadcast_in_dim3A_27 : f32 to vector<16xf32>
      %add3A_29 = arith.constant 16 : i32
      %add3A_30 = arith.addi %multiple_of3A_22, %add3A_29 : i32
      %swap3A_31 = arith.index_cast %add3A_30 : i32 to index
      %swap3A_32 = tpu.vector_load %arg7[%swap3A_31] {strides = array<i32>} : memref<64800xf32, #tpu.memory_space<vmem>>, vector<16xf32>,
      tpu.vector_store %arg7[%swap3A_31], %broadcast_in_dim3A_28 {strides = array<i32>} : memref<64800xf32, #tpu.memory_space<vmem>>, vector<16xf32>,
      %broadcast_in_dim3A_33 = arith.constant 0.000000e+00 : f32
      %broadcast_in_dim3A_34 = vector.broadcast %broadcast_in_dim3A_33 : f32 to vector<16xf32>
      %add3A_35 = arith.constant 32 : i32
      %add3A_36 = arith.addi %multiple_of3A_22, %add3A_35 : i32
      %swap3A_37 = arith.index_cast %add3A_36 : i32 to index
      %swap3A_38 = tpu.vector_load %arg7[%swap3A_37] {strides = array<i32>} : memref<64800xf32, #tpu.memory_space<vmem>>, vector<16xf32>,
      tpu.vector_store %arg7[%swap3A_37], %broadcast_in_dim3A_34 {strides = array<i32>} : memref<64800xf32, #tpu.memory_space<vmem>>, vector<16xf32>,
      %broadcast_in_dim3A_39 = arith.constant 0.000000e+00 : f32
      %broadcast_in_dim3A_40 = vector.broadcast %broadcast_in_dim3A_39 : f32 to vector<16xf32>
      %add3A_41 = arith.constant 48 : i32
      %add3A_42 = arith.addi %multiple_of3A_22, %add3A_41 : i32
      %swap3A_43 = arith.index_cast %add3A_42 : i32 to index
      %swap3A_44 = tpu.vector_load %arg7[%swap3A_43] {strides = array<i32>} : memref<64800xf32, #tpu.memory_space<vmem>>, vector<16xf32>,
      tpu.vector_store %arg7[%swap3A_43], %broadcast_in_dim3A_40 {strides = array<i32>} : memref<64800xf32, #tpu.memory_space<vmem>>, vector<16xf32>,
      %broadcast_in_dim3A_45 = arith.constant 0.000000e+00 : f32
      %broadcast_in_dim3A_46 = vector.broadcast %broadcast_in_dim3A_45 : f32 to vector<16xf32>
      %add3A_47 = arith.constant 64 : i32
      %add3A_48 = arith.addi %multiple_of3A_22, %add3A_47 : i32
      %swap3A_49 = arith.index_cast %add3A_48 : i32 to index
      %swap3A_50 = tpu.vector_load %arg7[%swap3A_49] {strides = array<i32>} : memref<64800xf32, #tpu.memory_space<vmem>>, vector<16xf32>,
      tpu.vector_store %arg7[%swap3A_49], %broadcast_in_dim3A_46 {strides = array<i32>} : memref<64800xf32, #tpu.memory_space<vmem>>, vector<16xf32>,
      %broadcast_in_dim3A_51 = arith.constant 0.000000e+00 : f32
      %broadcast_in_dim3A_52 = vector.broadcast %broadcast_in_dim3A_51 : f32 to vector<16xf32>
      %add3A_53 = arith.constant 80 : i32
      %add3A_54 = arith.addi %multiple_of3A_22, %add3A_53 : i32
      %swap3A_55 = arith.index_cast %add3A_54 : i32 to index
      %swap3A_56 = tpu.vector_load %arg7[%swap3A_55] {strides = array<i32>} : memref<64800xf32, #tpu.memory_space<vmem>>, vector<16xf32>,
      tpu.vector_store %arg7[%swap3A_55], %broadcast_in_dim3A_52 {strides = array<i32>} : memref<64800xf32, #tpu.memory_space<vmem>>, vector<16xf32>,
      %broadcast_in_dim3A_57 = arith.constant 0.000000e+00 : f32
      %broadcast_in_dim3A_58 = vector.broadcast %broadcast_in_dim3A_57 : f32 to vector<16xf32>
      %add3A_59 = arith.constant 96 : i32
      %add3A_60 = arith.addi %multiple_of3A_22, %add3A_59 : i32
      %swap3A_61 = arith.index_cast %add3A_60 : i32 to index
      %swap3A_62 = tpu.vector_load %arg7[%swap3A_61] {strides = array<i32>} : memref<64800xf32, #tpu.memory_space<vmem>>, vector<16xf32>,
      tpu.vector_store %arg7[%swap3A_61], %broadcast_in_dim3A_58 {strides = array<i32>} : memref<64800xf32, #tpu.memory_space<vmem>>, vector<16xf32>,
      %broadcast_in_dim3A_63 = arith.constant 0.000000e+00 : f32
      %broadcast_in_dim3A_64 = vector.broadcast %broadcast_in_dim3A_63 : f32 to vector<16xf32>
      %add3A_65 = arith.constant 112 : i32
      %add3A_66 = arith.addi %multiple_of3A_22, %add3A_65 : i32
      %swap3A_67 = arith.index_cast %add3A_66 : i32 to index
      %swap3A_68 = tpu.vector_load %arg7[%swap3A_67] {strides = array<i32>} : memref<64800xf32, #tpu.memory_space<vmem>>, vector<16xf32>,
      tpu.vector_store %arg7[%swap3A_67], %broadcast_in_dim3A_64 {strides = array<i32>} : memref<64800xf32, #tpu.memory_space<vmem>>, vector<16xf32>,
      %broadcast_in_dim3A_69 = arith.constant 0.000000e+00 : f32
      %broadcast_in_dim3A_70 = vector.broadcast %broadcast_in_dim3A_69 : f32 to vector<16xf32>
      %add3A_71 = arith.constant 128 : i32
      %add3A_72 = arith.addi %multiple_of3A_22, %add3A_71 : i32
      %swap3A_73 = arith.index_cast %add3A_72 : i32 to index
      %swap3A_74 = tpu.vector_load %arg7[%swap3A_73] {strides = array<i32>} : memref<64800xf32, #tpu.memory_space<vmem>>, vector<16xf32>,
      tpu.vector_store %arg7[%swap3A_73], %broadcast_in_dim3A_70 {strides = array<i32>} : memref<64800xf32, #tpu.memory_space<vmem>>, vector<16xf32>,
      %broadcast_in_dim3A_75 = arith.constant 0.000000e+00 : f32
      %broadcast_in_dim3A_76 = vector.broadcast %broadcast_in_dim3A_75 : f32 to vector<16xf32>
      %add3A_77 = arith.constant 144 : i32
      %add3A_78 = arith.addi %multiple_of3A_22, %add3A_77 : i32
      %swap3A_79 = arith.index_cast %add3A_78 : i32 to index
      %swap3A_80 = tpu.vector_load %arg7[%swap3A_79] {strides = array<i32>} : memref<64800xf32, #tpu.memory_space<vmem>>, vector<16xf32>,
      tpu.vector_store %arg7[%swap3A_79], %broadcast_in_dim3A_76 {strides = array<i32>} : memref<64800xf32, #tpu.memory_space<vmem>>, vector<16xf32>,
    }
    %scan3A_5 = arith.constant 405 : i32
    %mul3A_6 = arith.constant 64800 : i32
    %mul3A_7 = arith.muli %add3A, %mul3A_6 : i32
    %multiple_of3A = tpu.assume_multiple %mul3A_7, 64800 : i32
    %ge3A = arith.constant 2 : i32
    %ge3A_8 = arith.cmpi sge, %add3A, %ge3A : i32
    %convert_element_type3A = arith.extui %ge3A_8 : i1 to i32
    %cond3A = arith.constant 0 : i32
    %cond3A_9 = arith.cmpi ne, %convert_element_type3A, %cond3A : i32
    scf.if %cond3A_9 {
      "tpu.region"() ({
        %run_scoped3A = tpu.sem_alloc : memref<!tpu.dma_semaphore, #tpu.memory_space<semaphore_mem>>
        %dma_start3A = tpu.memref_slice %arg5[%multiple_of3A] : memref<2073600xf32, #tpu.memory_space<hbm>> -> memref<64800xf32, #tpu.memory_space<hbm>>
        %dma_start3A_19 = tpu.memref_slice %arg5[%multiple_of3A] : memref<2073600xf32, #tpu.memory_space<hbm>> -> memref<64800xf32, #tpu.memory_space<hbm>>
        tpu.enqueue_dma source(%arg7 : memref<64800xf32, #tpu.memory_space<vmem>>) target(%dma_start3A_19 : memref<64800xf32, #tpu.memory_space<hbm>>) target_semaphore(%run_scoped3A : memref<!tpu.dma_semaphore, #tpu.memory_space<semaphore_mem>>)
        %dma_wait3A = tpu.memref_slice %arg5[%multiple_of3A] : memref<2073600xf32, #tpu.memory_space<hbm>> -> memref<64800xf32, #tpu.memory_space<hbm>>
        %dma_wait3A_20 = tpu.memref_slice %arg5[%multiple_of3A] : memref<2073600xf32, #tpu.memory_space<hbm>> -> memref<64800xf32, #tpu.memory_space<hbm>>
        tpu.wait_dma2 semaphore(%run_scoped3A : memref<!tpu.dma_semaphore, #tpu.memory_space<semaphore_mem>>) src(%arg7 : memref<64800xf32, #tpu.memory_space<vmem>>) dst(%dma_wait3A_20 : memref<64800xf32, #tpu.memory_space<hbm>>)
        tpu.yield
      }) : () -> ()
      "tpu.region"() ({
        %run_scoped3A = tpu.sem_alloc : memref<!tpu.dma_semaphore, #tpu.memory_space<semaphore_mem>>
        %dma_start3A = tpu.memref_slice %arg6[%multiple_of3A] : memref<2073600xf32, #tpu.memory_space<hbm>> -> memref<64800xf32, #tpu.memory_space<hbm>>
        %dma_start3A_19 = tpu.memref_slice %arg6[%multiple_of3A] : memref<2073600xf32, #tpu.memory_space<hbm>> -> memref<64800xf32, #tpu.memory_space<hbm>>
        tpu.enqueue_dma source(%arg7 : memref<64800xf32, #tpu.memory_space<vmem>>) target(%dma_start3A_19 : memref<64800xf32, #tpu.memory_space<hbm>>) target_semaphore(%run_scoped3A : memref<!tpu.dma_semaphore, #tpu.memory_space<semaphore_mem>>)
        %dma_wait3A = tpu.memref_slice %arg6[%multiple_of3A] : memref<2073600xf32, #tpu.memory_space<hbm>> -> memref<64800xf32, #tpu.memory_space<hbm>>
        %dma_wait3A_20 = tpu.memref_slice %arg6[%multiple_of3A] : memref<2073600xf32, #tpu.memory_space<hbm>> -> memref<64800xf32, #tpu.memory_space<hbm>>
        tpu.wait_dma2 semaphore(%run_scoped3A : memref<!tpu.dma_semaphore, #tpu.memory_space<semaphore_mem>>) src(%arg7 : memref<64800xf32, #tpu.memory_space<vmem>>) dst(%dma_wait3A_20 : memref<64800xf32, #tpu.memory_space<hbm>>)
        tpu.yield
      }) : () -> ()
    } else {
    }
    %eq3A = arith.constant 0 : i32
    %eq3A_10 = arith.cmpi eq, %add3A, %eq3A : i32
    %convert_element_type3A_11 = arith.extui %eq3A_10 : i1 to i32
    %cond3A_12 = arith.constant 0 : i32
    %cond3A_13 = arith.cmpi ne, %convert_element_type3A_11, %cond3A_12 : i32
    scf.if %cond3A_13 {
      "tpu.region"() ({
        %run_scoped3A = tpu.sem_alloc : memref<!tpu.dma_semaphore, #tpu.memory_space<semaphore_mem>>
        %dma_start3A = arith.constant 64800 : i32
        %dma_start3A_25 = tpu.memref_slice %arg6[%dma_start3A] : memref<2073600xf32, #tpu.memory_space<hbm>> -> memref<64800xf32, #tpu.memory_space<hbm>>
        %dma_start3A_26 = arith.constant 64800 : i32
        %dma_start3A_27 = tpu.memref_slice %arg6[%dma_start3A_26] : memref<2073600xf32, #tpu.memory_space<hbm>> -> memref<64800xf32, #tpu.memory_space<hbm>>
        tpu.enqueue_dma source(%arg7 : memref<64800xf32, #tpu.memory_space<vmem>>) target(%dma_start3A_27 : memref<64800xf32, #tpu.memory_space<hbm>>) target_semaphore(%run_scoped3A : memref<!tpu.dma_semaphore, #tpu.memory_space<semaphore_mem>>)
        %dma_wait3A = arith.constant 64800 : i32
        %dma_wait3A_28 = tpu.memref_slice %arg6[%dma_wait3A] : memref<2073600xf32, #tpu.memory_space<hbm>> -> memref<64800xf32, #tpu.memory_space<hbm>>
        %dma_wait3A_29 = arith.constant 64800 : i32
        %dma_wait3A_30 = tpu.memref_slice %arg6[%dma_wait3A_29] : memref<2073600xf32, #tpu.memory_space<hbm>> -> memref<64800xf32, #tpu.memory_space<hbm>>
        tpu.wait_dma2 semaphore(%run_scoped3A : memref<!tpu.dma_semaphore, #tpu.memory_space<semaphore_mem>>) src(%arg7 : memref<64800xf32, #tpu.memory_space<vmem>>) dst(%dma_wait3A_30 : memref<64800xf32, #tpu.memory_space<hbm>>)
        tpu.yield
      }) : () -> ()
      "tpu.region"() ({
        %run_scoped3A = tpu.sem_alloc : memref<!tpu.dma_semaphore, #tpu.memory_space<semaphore_mem>>
        tpu.enqueue_dma source(%arg4 : memref<3600xi32, #tpu.memory_space<hbm>>) target(%arg9 : memref<3600xi32, #tpu.memory_space<vmem>>) target_semaphore(%run_scoped3A : memref<!tpu.dma_semaphore, #tpu.memory_space<semaphore_mem>>)
        tpu.wait_dma2 semaphore(%run_scoped3A : memref<!tpu.dma_semaphore, #tpu.memory_space<semaphore_mem>>) src(%arg4 : memref<3600xi32, #tpu.memory_space<hbm>>) dst(%arg9 : memref<3600xi32, #tpu.memory_space<vmem>>)
        tpu.yield
      }) : () -> ()
      "tpu.region"() ({
        %run_scoped3A = tpu.sem_alloc : memref<!tpu.dma_semaphore, #tpu.memory_space<semaphore_mem>>
        tpu.enqueue_dma source(%arg2 : memref<3600xf32, #tpu.memory_space<hbm>>) target(%arg8 : memref<3600xf32, #tpu.memory_space<vmem>>) target_semaphore(%run_scoped3A : memref<!tpu.dma_semaphore, #tpu.memory_space<semaphore_mem>>)
        tpu.wait_dma2 semaphore(%run_scoped3A : memref<!tpu.dma_semaphore, #tpu.memory_space<semaphore_mem>>) src(%arg2 : memref<3600xf32, #tpu.memory_space<hbm>>) dst(%arg8 : memref<3600xf32, #tpu.memory_space<vmem>>)
        tpu.yield
      }) : () -> ()
      %scan3A_19 = arith.constant 0 : i32
      %scan3A_20 = arith.constant 0 : i32
      %scan3A_21 = arith.constant 225 : i32
      %scan3A_22 = arith.addi %scan3A_20, %scan3A_21 : i32
      %scan3A_23 = arith.constant 1 : i32
      scf.for %scan3A_25 = %scan3A_20 to %scan3A_22 step %scan3A_23  : i32 {
        %mul3A_26 = arith.constant 16 : i32
        %mul3A_27 = arith.muli %scan3A_25, %mul3A_26 : i32
        %multiple_of3A_28 = tpu.assume_multiple %mul3A_27, 16 : i32
        %get3A = arith.index_cast %multiple_of3A_28 : i32 to index
        %get3A_29 = tpu.vector_load %arg9[%get3A] {strides = array<i32>} : memref<3600xi32, #tpu.memory_space<vmem>>, vector<16xi32>,
        %get3A_30 = arith.index_cast %multiple_of3A_28 : i32 to index
        %get3A_31 = tpu.vector_load %arg8[%get3A_30] {strides = array<i32>} : memref<3600xf32, #tpu.memory_space<vmem>>, vector<16xf32>,
        tpu.vector_store_idx %arg7[%get3A_29], %get3A_31 : memref<64800xf32, #tpu.memory_space<vmem>>[vector<16xi32>], vector<16xf32>,
      }
      %scan3A_24 = arith.constant 225 : i32
      "tpu.region"() ({
        %run_scoped3A = tpu.sem_alloc : memref<!tpu.dma_semaphore, #tpu.memory_space<semaphore_mem>>
        %dma_start3A = arith.constant 0 : i32
        %dma_start3A_25 = tpu.memref_slice %arg5[%dma_start3A] : memref<2073600xf32, #tpu.memory_space<hbm>> -> memref<64800xf32, #tpu.memory_space<hbm>>
        %dma_start3A_26 = arith.constant 0 : i32
        %dma_start3A_27 = tpu.memref_slice %arg5[%dma_start3A_26] : memref<2073600xf32, #tpu.memory_space<hbm>> -> memref<64800xf32, #tpu.memory_space<hbm>>
        tpu.enqueue_dma source(%arg7 : memref<64800xf32, #tpu.memory_space<vmem>>) target(%dma_start3A_27 : memref<64800xf32, #tpu.memory_space<hbm>>) target_semaphore(%run_scoped3A : memref<!tpu.dma_semaphore, #tpu.memory_space<semaphore_mem>>)
        %dma_wait3A = arith.constant 0 : i32
        %dma_wait3A_28 = tpu.memref_slice %arg5[%dma_wait3A] : memref<2073600xf32, #tpu.memory_space<hbm>> -> memref<64800xf32, #tpu.memory_space<hbm>>
        %dma_wait3A_29 = arith.constant 0 : i32
        %dma_wait3A_30 = tpu.memref_slice %arg5[%dma_wait3A_29] : memref<2073600xf32, #tpu.memory_space<hbm>> -> memref<64800xf32, #tpu.memory_space<hbm>>
        tpu.wait_dma2 semaphore(%run_scoped3A : memref<!tpu.dma_semaphore, #tpu.memory_space<semaphore_mem>>) src(%arg7 : memref<64800xf32, #tpu.memory_space<vmem>>) dst(%dma_wait3A_30 : memref<64800xf32, #tpu.memory_space<hbm>>)
        tpu.yield
      }) : () -> ()
    } else {
    }
    %eq3A_14 = arith.constant 1 : i32
    %eq3A_15 = arith.cmpi eq, %add3A, %eq3A_14 : i32
    %convert_element_type3A_16 = arith.extui %eq3A_15 : i1 to i32
    %cond3A_17 = arith.constant 0 : i32
    %cond3A_18 = arith.cmpi ne, %convert_element_type3A_16, %cond3A_17 : i32
    scf.if %cond3A_18 {
      "tpu.region"() ({
        %run_scoped3A = tpu.sem_alloc : memref<!tpu.dma_semaphore, #tpu.memory_space<semaphore_mem>>
        %dma_start3A = arith.constant 64800 : i32
        %dma_start3A_25 = tpu.memref_slice %arg5[%dma_start3A] : memref<2073600xf32, #tpu.memory_space<hbm>> -> memref<64800xf32, #tpu.memory_space<hbm>>
        %dma_start3A_26 = arith.constant 64800 : i32
        %dma_start3A_27 = tpu.memref_slice %arg5[%dma_start3A_26] : memref<2073600xf32, #tpu.memory_space<hbm>> -> memref<64800xf32, #tpu.memory_space<hbm>>
        tpu.enqueue_dma source(%arg7 : memref<64800xf32, #tpu.memory_space<vmem>>) target(%dma_start3A_27 : memref<64800xf32, #tpu.memory_space<hbm>>) target_semaphore(%run_scoped3A : memref<!tpu.dma_semaphore, #tpu.memory_space<semaphore_mem>>)
        %dma_wait3A = arith.constant 64800 : i32
        %dma_wait3A_28 = tpu.memref_slice %arg5[%dma_wait3A] : memref<2073600xf32, #tpu.memory_space<hbm>> -> memref<64800xf32, #tpu.memory_space<hbm>>
        %dma_wait3A_29 = arith.constant 64800 : i32
        %dma_wait3A_30 = tpu.memref_slice %arg5[%dma_wait3A_29] : memref<2073600xf32, #tpu.memory_space<hbm>> -> memref<64800xf32, #tpu.memory_space<hbm>>
        tpu.wait_dma2 semaphore(%run_scoped3A : memref<!tpu.dma_semaphore, #tpu.memory_space<semaphore_mem>>) src(%arg7 : memref<64800xf32, #tpu.memory_space<vmem>>) dst(%dma_wait3A_30 : memref<64800xf32, #tpu.memory_space<hbm>>)
        tpu.yield
      }) : () -> ()
      "tpu.region"() ({
        %run_scoped3A = tpu.sem_alloc : memref<!tpu.dma_semaphore, #tpu.memory_space<semaphore_mem>>
        tpu.enqueue_dma source(%arg4 : memref<3600xi32, #tpu.memory_space<hbm>>) target(%arg9 : memref<3600xi32, #tpu.memory_space<vmem>>) target_semaphore(%run_scoped3A : memref<!tpu.dma_semaphore, #tpu.memory_space<semaphore_mem>>)
        tpu.wait_dma2 semaphore(%run_scoped3A : memref<!tpu.dma_semaphore, #tpu.memory_space<semaphore_mem>>) src(%arg4 : memref<3600xi32, #tpu.memory_space<hbm>>) dst(%arg9 : memref<3600xi32, #tpu.memory_space<vmem>>)
        tpu.yield
      }) : () -> ()
      "tpu.region"() ({
        %run_scoped3A = tpu.sem_alloc : memref<!tpu.dma_semaphore, #tpu.memory_space<semaphore_mem>>
        tpu.enqueue_dma source(%arg3 : memref<3600xf32, #tpu.memory_space<hbm>>) target(%arg8 : memref<3600xf32, #tpu.memory_space<vmem>>) target_semaphore(%run_scoped3A : memref<!tpu.dma_semaphore, #tpu.memory_space<semaphore_mem>>)
        tpu.wait_dma2 semaphore(%run_scoped3A : memref<!tpu.dma_semaphore, #tpu.memory_space<semaphore_mem>>) src(%arg3 : memref<3600xf32, #tpu.memory_space<hbm>>) dst(%arg8 : memref<3600xf32, #tpu.memory_space<vmem>>)
        tpu.yield
      }) : () -> ()
      %scan3A_19 = arith.constant 0 : i32
      %scan3A_20 = arith.constant 0 : i32
      %scan3A_21 = arith.constant 225 : i32
      %scan3A_22 = arith.addi %scan3A_20, %scan3A_21 : i32
      %scan3A_23 = arith.constant 1 : i32
      scf.for %scan3A_25 = %scan3A_20 to %scan3A_22 step %scan3A_23  : i32 {
        %mul3A_26 = arith.constant 16 : i32
        %mul3A_27 = arith.muli %scan3A_25, %mul3A_26 : i32
        %multiple_of3A_28 = tpu.assume_multiple %mul3A_27, 16 : i32
        %get3A = arith.index_cast %multiple_of3A_28 : i32 to index
        %get3A_29 = tpu.vector_load %arg9[%get3A] {strides = array<i32>} : memref<3600xi32, #tpu.memory_space<vmem>>, vector<16xi32>,
        %get3A_30 = arith.index_cast %multiple_of3A_28 : i32 to index
        %get3A_31 = tpu.vector_load %arg8[%get3A_30] {strides = array<i32>} : memref<3600xf32, #tpu.memory_space<vmem>>, vector<16xf32>,
        tpu.vector_store_idx %arg7[%get3A_29], %get3A_31 : memref<64800xf32, #tpu.memory_space<vmem>>[vector<16xi32>], vector<16xf32>,
      }
      %scan3A_24 = arith.constant 225 : i32
      "tpu.region"() ({
        %run_scoped3A = tpu.sem_alloc : memref<!tpu.dma_semaphore, #tpu.memory_space<semaphore_mem>>
        %dma_start3A = arith.constant 0 : i32
        %dma_start3A_25 = tpu.memref_slice %arg6[%dma_start3A] : memref<2073600xf32, #tpu.memory_space<hbm>> -> memref<64800xf32, #tpu.memory_space<hbm>>
        %dma_start3A_26 = arith.constant 0 : i32
        %dma_start3A_27 = tpu.memref_slice %arg6[%dma_start3A_26] : memref<2073600xf32, #tpu.memory_space<hbm>> -> memref<64800xf32, #tpu.memory_space<hbm>>
        tpu.enqueue_dma source(%arg7 : memref<64800xf32, #tpu.memory_space<vmem>>) target(%dma_start3A_27 : memref<64800xf32, #tpu.memory_space<hbm>>) target_semaphore(%run_scoped3A : memref<!tpu.dma_semaphore, #tpu.memory_space<semaphore_mem>>)
        %dma_wait3A = arith.constant 0 : i32
        %dma_wait3A_28 = tpu.memref_slice %arg6[%dma_wait3A] : memref<2073600xf32, #tpu.memory_space<hbm>> -> memref<64800xf32, #tpu.memory_space<hbm>>
        %dma_wait3A_29 = arith.constant 0 : i32
        %dma_wait3A_30 = tpu.memref_slice %arg6[%dma_wait3A_29] : memref<2073600xf32, #tpu.memory_space<hbm>> -> memref<64800xf32, #tpu.memory_space<hbm>>
        tpu.wait_dma2 semaphore(%run_scoped3A : memref<!tpu.dma_semaphore, #tpu.memory_space<semaphore_mem>>) src(%arg7 : memref<64800xf32, #tpu.memory_space<vmem>>) dst(%dma_wait3A_30 : memref<64800xf32, #tpu.memory_space<hbm>>)
        tpu.yield
      }) : () -> ()
    } else {
    }
    return
  }
}

#map = affine_map<(d0, d1) -> (0, 0)>
#map1 = affine_map<(d0, d1) -> (0)>
module attributes {stable_mosaic.version = 14 : i64} {
  func.func @gk(%arg0: i32, %arg1: i32, %arg2: memref<32400x512xf32, #tpu.memory_space<hbm>>, %arg3: memref<32400xi32, #tpu.memory_space<hbm>>, %arg4: memref<3840xi32, #tpu.memory_space<hbm>>, %arg5: memref<3840x512xf32, #tpu.memory_space<hbm>>, %arg6: memref<3840xi32, #tpu.memory_space<hbm>>, %arg7: memref<128xi32, #tpu.memory_space<vmem>>, %arg8: memref<120x512xf32, #tpu.memory_space<vmem>>, %arg9: memref<32400xi32, #tpu.memory_space<vmem>>, %arg10: memref<128xi32, #tpu.memory_space<vmem>>, %arg11: memref<!tpu.dma_semaphore, #tpu.memory_space<semaphore_mem>>) attributes {dimension_semantics = [#tpu.dimension_semantics<core_parallel>, #tpu.dimension_semantics<subcore_parallel>], iteration_bounds = array<i64: 2, 16>, scalar_prefetch = 0 : i64, scratch_operands = 5 : i64, tpu.core_type = #tpu.core_type<sc_vector_subcore>, window_params = [{transform_indices = #map}, {transform_indices = #map1}, {transform_indices = #map1}, {transform_indices = #map}, {transform_indices = #map1}]} {
    %mul3A = arith.constant 2 : i32
    %mul3A_0 = arith.muli %arg1, %mul3A : i32
    %add3A = arith.addi %mul3A_0, %arg0 : i32
    %mul3A_1 = arith.constant 120 : i32
    %mul3A_2 = arith.muli %add3A, %mul3A_1 : i32
    %multiple_of3A = tpu.assume_multiple %mul3A_2, 120 : i32
    %broadcast_in_dim3A = arith.constant 0 : i32
    %broadcast_in_dim3A_3 = vector.broadcast %broadcast_in_dim3A : i32 to vector<16xi32>
    %swap3A = arith.constant 112 : index
    %swap3A_4 = tpu.vector_load %arg7[%swap3A] {strides = array<i32>} : memref<128xi32, #tpu.memory_space<vmem>>, vector<16xi32>,
    tpu.vector_store %arg7[%swap3A], %broadcast_in_dim3A_3 {strides = array<i32>} : memref<128xi32, #tpu.memory_space<vmem>>, vector<16xi32>,
    "tpu.region"() ({
      %run_scoped3A = tpu.sem_alloc : memref<!tpu.dma_semaphore, #tpu.memory_space<semaphore_mem>>
      %dma_start3A_51 = arith.constant 0 : i32
      %dma_start3A_52 = tpu.memref_slice %arg7[%dma_start3A_51] : memref<128xi32, #tpu.memory_space<vmem>> -> memref<120xi32, #tpu.memory_space<vmem>>
      %dma_start3A_53 = tpu.memref_slice %arg4[%multiple_of3A] : memref<3840xi32, #tpu.memory_space<hbm>> -> memref<120xi32, #tpu.memory_space<hbm>>
      %dma_start3A_54 = arith.constant 0 : i32
      %dma_start3A_55 = tpu.memref_slice %arg7[%dma_start3A_54] : memref<128xi32, #tpu.memory_space<vmem>> -> memref<120xi32, #tpu.memory_space<vmem>>
      %dma_start3A_56 = tpu.memref_slice %arg4[%multiple_of3A] : memref<3840xi32, #tpu.memory_space<hbm>> -> memref<120xi32, #tpu.memory_space<hbm>>
      tpu.enqueue_dma source(%dma_start3A_56 : memref<120xi32, #tpu.memory_space<hbm>>) target(%dma_start3A_55 : memref<120xi32, #tpu.memory_space<vmem>>) target_semaphore(%run_scoped3A : memref<!tpu.dma_semaphore, #tpu.memory_space<semaphore_mem>>)
      %dma_wait3A_57 = arith.constant 0 : i32
      %dma_wait3A_58 = tpu.memref_slice %arg7[%dma_wait3A_57] : memref<128xi32, #tpu.memory_space<vmem>> -> memref<120xi32, #tpu.memory_space<vmem>>
      %dma_wait3A_59 = tpu.memref_slice %arg4[%multiple_of3A] : memref<3840xi32, #tpu.memory_space<hbm>> -> memref<120xi32, #tpu.memory_space<hbm>>
      %dma_wait3A_60 = arith.constant 0 : i32
      %dma_wait3A_61 = tpu.memref_slice %arg7[%dma_wait3A_60] : memref<128xi32, #tpu.memory_space<vmem>> -> memref<120xi32, #tpu.memory_space<vmem>>
      %dma_wait3A_62 = tpu.memref_slice %arg4[%multiple_of3A] : memref<3840xi32, #tpu.memory_space<hbm>> -> memref<120xi32, #tpu.memory_space<hbm>>
      tpu.wait_dma2 semaphore(%run_scoped3A : memref<!tpu.dma_semaphore, #tpu.memory_space<semaphore_mem>>) src(%dma_wait3A_62 : memref<120xi32, #tpu.memory_space<hbm>>) dst(%dma_wait3A_61 : memref<120xi32, #tpu.memory_space<vmem>>)
      tpu.yield
    }) : () -> ()
    %dma_start3A = arith.constant 0 : i32
    %dma_start3A_5 = tpu.memref_slice %arg7[%dma_start3A] : memref<128xi32, #tpu.memory_space<vmem>> -> memref<120xi32, #tpu.memory_space<vmem>>
    %dma_start3A_6 = arith.constant 0 : i32
    %dma_start3A_7 = arith.constant 0 : i32
    %dma_start3A_8 = tpu.memref_slice %arg2[%dma_start3A_6, %dma_start3A_7] : memref<32400x512xf32, #tpu.memory_space<hbm>> -> memref<32400x512xf32, #tpu.memory_space<hbm>>
    tpu.enqueue_indirect_dma source(%dma_start3A_8 : memref<32400x512xf32, #tpu.memory_space<hbm>>) target(%arg8 : memref<120x512xf32, #tpu.memory_space<vmem>>) offsets(%dma_start3A_5 : memref<120xi32, #tpu.memory_space<vmem>>) semaphore(%arg11 : memref<!tpu.dma_semaphore, #tpu.memory_space<semaphore_mem>>)
    "tpu.region"() ({
      %run_scoped3A = tpu.sem_alloc : memref<!tpu.dma_semaphore, #tpu.memory_space<semaphore_mem>>
      tpu.enqueue_dma source(%arg3 : memref<32400xi32, #tpu.memory_space<hbm>>) target(%arg9 : memref<32400xi32, #tpu.memory_space<vmem>>) target_semaphore(%run_scoped3A : memref<!tpu.dma_semaphore, #tpu.memory_space<semaphore_mem>>)
      tpu.wait_dma2 semaphore(%run_scoped3A : memref<!tpu.dma_semaphore, #tpu.memory_space<semaphore_mem>>) src(%arg3 : memref<32400xi32, #tpu.memory_space<hbm>>) dst(%arg9 : memref<32400xi32, #tpu.memory_space<vmem>>)
      tpu.yield
    }) : () -> ()
    %get3A = arith.constant 0 : index
    %get3A_9 = tpu.vector_load %arg7[%get3A] {strides = array<i32>} : memref<128xi32, #tpu.memory_space<vmem>>, vector<16xi32>,
    %gather3A = tpu.vector_load_idx %arg9[%get3A_9] : memref<32400xi32, #tpu.memory_space<vmem>>[vector<16xi32>], vector<16xi32>,
    %swap3A_10 = arith.constant 0 : index
    %swap3A_11 = tpu.vector_load %arg10[%swap3A_10] {strides = array<i32>} : memref<128xi32, #tpu.memory_space<vmem>>, vector<16xi32>,
    tpu.vector_store %arg10[%swap3A_10], %gather3A {strides = array<i32>} : memref<128xi32, #tpu.memory_space<vmem>>, vector<16xi32>,
    %get3A_12 = arith.constant 16 : index
    %get3A_13 = tpu.vector_load %arg7[%get3A_12] {strides = array<i32>} : memref<128xi32, #tpu.memory_space<vmem>>, vector<16xi32>,
    %gather3A_14 = tpu.vector_load_idx %arg9[%get3A_13] : memref<32400xi32, #tpu.memory_space<vmem>>[vector<16xi32>], vector<16xi32>,
    %swap3A_15 = arith.constant 16 : index
    %swap3A_16 = tpu.vector_load %arg10[%swap3A_15] {strides = array<i32>} : memref<128xi32, #tpu.memory_space<vmem>>, vector<16xi32>,
    tpu.vector_store %arg10[%swap3A_15], %gather3A_14 {strides = array<i32>} : memref<128xi32, #tpu.memory_space<vmem>>, vector<16xi32>,
    %get3A_17 = arith.constant 32 : index
    %get3A_18 = tpu.vector_load %arg7[%get3A_17] {strides = array<i32>} : memref<128xi32, #tpu.memory_space<vmem>>, vector<16xi32>,
    %gather3A_19 = tpu.vector_load_idx %arg9[%get3A_18] : memref<32400xi32, #tpu.memory_space<vmem>>[vector<16xi32>], vector<16xi32>,
    %swap3A_20 = arith.constant 32 : index
    %swap3A_21 = tpu.vector_load %arg10[%swap3A_20] {strides = array<i32>} : memref<128xi32, #tpu.memory_space<vmem>>, vector<16xi32>,
    tpu.vector_store %arg10[%swap3A_20], %gather3A_19 {strides = array<i32>} : memref<128xi32, #tpu.memory_space<vmem>>, vector<16xi32>,
    %get3A_22 = arith.constant 48 : index
    %get3A_23 = tpu.vector_load %arg7[%get3A_22] {strides = array<i32>} : memref<128xi32, #tpu.memory_space<vmem>>, vector<16xi32>,
    %gather3A_24 = tpu.vector_load_idx %arg9[%get3A_23] : memref<32400xi32, #tpu.memory_space<vmem>>[vector<16xi32>], vector<16xi32>,
    %swap3A_25 = arith.constant 48 : index
    %swap3A_26 = tpu.vector_load %arg10[%swap3A_25] {strides = array<i32>} : memref<128xi32, #tpu.memory_space<vmem>>, vector<16xi32>,
    tpu.vector_store %arg10[%swap3A_25], %gather3A_24 {strides = array<i32>} : memref<128xi32, #tpu.memory_space<vmem>>, vector<16xi32>,
    %get3A_27 = arith.constant 64 : index
    %get3A_28 = tpu.vector_load %arg7[%get3A_27] {strides = array<i32>} : memref<128xi32, #tpu.memory_space<vmem>>, vector<16xi32>,
    %gather3A_29 = tpu.vector_load_idx %arg9[%get3A_28] : memref<32400xi32, #tpu.memory_space<vmem>>[vector<16xi32>], vector<16xi32>,
    %swap3A_30 = arith.constant 64 : index
    %swap3A_31 = tpu.vector_load %arg10[%swap3A_30] {strides = array<i32>} : memref<128xi32, #tpu.memory_space<vmem>>, vector<16xi32>,
    tpu.vector_store %arg10[%swap3A_30], %gather3A_29 {strides = array<i32>} : memref<128xi32, #tpu.memory_space<vmem>>, vector<16xi32>,
    %get3A_32 = arith.constant 80 : index
    %get3A_33 = tpu.vector_load %arg7[%get3A_32] {strides = array<i32>} : memref<128xi32, #tpu.memory_space<vmem>>, vector<16xi32>,
    %gather3A_34 = tpu.vector_load_idx %arg9[%get3A_33] : memref<32400xi32, #tpu.memory_space<vmem>>[vector<16xi32>], vector<16xi32>,
    %swap3A_35 = arith.constant 80 : index
    %swap3A_36 = tpu.vector_load %arg10[%swap3A_35] {strides = array<i32>} : memref<128xi32, #tpu.memory_space<vmem>>, vector<16xi32>,
    tpu.vector_store %arg10[%swap3A_35], %gather3A_34 {strides = array<i32>} : memref<128xi32, #tpu.memory_space<vmem>>, vector<16xi32>,
    %get3A_37 = arith.constant 96 : index
    %get3A_38 = tpu.vector_load %arg7[%get3A_37] {strides = array<i32>} : memref<128xi32, #tpu.memory_space<vmem>>, vector<16xi32>,
    %gather3A_39 = tpu.vector_load_idx %arg9[%get3A_38] : memref<32400xi32, #tpu.memory_space<vmem>>[vector<16xi32>], vector<16xi32>,
    %swap3A_40 = arith.constant 96 : index
    %swap3A_41 = tpu.vector_load %arg10[%swap3A_40] {strides = array<i32>} : memref<128xi32, #tpu.memory_space<vmem>>, vector<16xi32>,
    tpu.vector_store %arg10[%swap3A_40], %gather3A_39 {strides = array<i32>} : memref<128xi32, #tpu.memory_space<vmem>>, vector<16xi32>,
    %get3A_42 = arith.constant 112 : index
    %get3A_43 = tpu.vector_load %arg7[%get3A_42] {strides = array<i32>} : memref<128xi32, #tpu.memory_space<vmem>>, vector<16xi32>,
    %gather3A_44 = tpu.vector_load_idx %arg9[%get3A_43] : memref<32400xi32, #tpu.memory_space<vmem>>[vector<16xi32>], vector<16xi32>,
    %swap3A_45 = arith.constant 112 : index
    %swap3A_46 = tpu.vector_load %arg10[%swap3A_45] {strides = array<i32>} : memref<128xi32, #tpu.memory_space<vmem>>, vector<16xi32>,
    tpu.vector_store %arg10[%swap3A_45], %gather3A_44 {strides = array<i32>} : memref<128xi32, #tpu.memory_space<vmem>>, vector<16xi32>,
    "tpu.region"() ({
      %run_scoped3A = tpu.sem_alloc : memref<!tpu.dma_semaphore, #tpu.memory_space<semaphore_mem>>
      %dma_start3A_51 = arith.constant 0 : i32
      %dma_start3A_52 = tpu.memref_slice %arg10[%dma_start3A_51] : memref<128xi32, #tpu.memory_space<vmem>> -> memref<120xi32, #tpu.memory_space<vmem>>
      %dma_start3A_53 = tpu.memref_slice %arg6[%multiple_of3A] : memref<3840xi32, #tpu.memory_space<hbm>> -> memref<120xi32, #tpu.memory_space<hbm>>
      %dma_start3A_54 = tpu.memref_slice %arg6[%multiple_of3A] : memref<3840xi32, #tpu.memory_space<hbm>> -> memref<120xi32, #tpu.memory_space<hbm>>
      %dma_start3A_55 = arith.constant 0 : i32
      %dma_start3A_56 = tpu.memref_slice %arg10[%dma_start3A_55] : memref<128xi32, #tpu.memory_space<vmem>> -> memref<120xi32, #tpu.memory_space<vmem>>
      tpu.enqueue_dma source(%dma_start3A_56 : memref<120xi32, #tpu.memory_space<vmem>>) target(%dma_start3A_54 : memref<120xi32, #tpu.memory_space<hbm>>) target_semaphore(%run_scoped3A : memref<!tpu.dma_semaphore, #tpu.memory_space<semaphore_mem>>)
      %dma_wait3A_57 = arith.constant 0 : i32
      %dma_wait3A_58 = tpu.memref_slice %arg10[%dma_wait3A_57] : memref<128xi32, #tpu.memory_space<vmem>> -> memref<120xi32, #tpu.memory_space<vmem>>
      %dma_wait3A_59 = tpu.memref_slice %arg6[%multiple_of3A] : memref<3840xi32, #tpu.memory_space<hbm>> -> memref<120xi32, #tpu.memory_space<hbm>>
      %dma_wait3A_60 = tpu.memref_slice %arg6[%multiple_of3A] : memref<3840xi32, #tpu.memory_space<hbm>> -> memref<120xi32, #tpu.memory_space<hbm>>
      %dma_wait3A_61 = arith.constant 0 : i32
      %dma_wait3A_62 = tpu.memref_slice %arg10[%dma_wait3A_61] : memref<128xi32, #tpu.memory_space<vmem>> -> memref<120xi32, #tpu.memory_space<vmem>>
      tpu.wait_dma2 semaphore(%run_scoped3A : memref<!tpu.dma_semaphore, #tpu.memory_space<semaphore_mem>>) src(%dma_wait3A_62 : memref<120xi32, #tpu.memory_space<vmem>>) dst(%dma_wait3A_60 : memref<120xi32, #tpu.memory_space<hbm>>)
      tpu.yield
    }) : () -> ()
    %dma_wait3A = arith.constant 0 : i32
    %dma_wait3A_47 = tpu.memref_slice %arg7[%dma_wait3A] : memref<128xi32, #tpu.memory_space<vmem>> -> memref<120xi32, #tpu.memory_space<vmem>>
    %dma_wait3A_48 = arith.constant 0 : i32
    %dma_wait3A_49 = arith.constant 0 : i32
    %dma_wait3A_50 = tpu.memref_slice %arg2[%dma_wait3A_48, %dma_wait3A_49] : memref<32400x512xf32, #tpu.memory_space<hbm>> -> memref<32400x512xf32, #tpu.memory_space<hbm>>
    tpu.wait_indirect_dma semaphore(%arg11 : memref<!tpu.dma_semaphore, #tpu.memory_space<semaphore_mem>>) src(%dma_wait3A_50 : memref<32400x512xf32, #tpu.memory_space<hbm>>) dst(%arg8 : memref<120x512xf32, #tpu.memory_space<vmem>>)
    "tpu.region"() ({
      %run_scoped3A = tpu.sem_alloc : memref<!tpu.dma_semaphore, #tpu.memory_space<semaphore_mem>>
      %dma_start3A_51 = arith.constant 0 : i32
      %dma_start3A_52 = tpu.memref_slice %arg5[%multiple_of3A, %dma_start3A_51] : memref<3840x512xf32, #tpu.memory_space<hbm>> -> memref<120x512xf32, #tpu.memory_space<hbm>>
      %dma_start3A_53 = arith.constant 0 : i32
      %dma_start3A_54 = tpu.memref_slice %arg5[%multiple_of3A, %dma_start3A_53] : memref<3840x512xf32, #tpu.memory_space<hbm>> -> memref<120x512xf32, #tpu.memory_space<hbm>>
      tpu.enqueue_dma source(%arg8 : memref<120x512xf32, #tpu.memory_space<vmem>>) target(%dma_start3A_54 : memref<120x512xf32, #tpu.memory_space<hbm>>) target_semaphore(%run_scoped3A : memref<!tpu.dma_semaphore, #tpu.memory_space<semaphore_mem>>)
      %dma_wait3A_55 = arith.constant 0 : i32
      %dma_wait3A_56 = tpu.memref_slice %arg5[%multiple_of3A, %dma_wait3A_55] : memref<3840x512xf32, #tpu.memory_space<hbm>> -> memref<120x512xf32, #tpu.memory_space<hbm>>
      %dma_wait3A_57 = arith.constant 0 : i32
      %dma_wait3A_58 = tpu.memref_slice %arg5[%multiple_of3A, %dma_wait3A_57] : memref<3840x512xf32, #tpu.memory_space<hbm>> -> memref<120x512xf32, #tpu.memory_space<hbm>>
      tpu.wait_dma2 semaphore(%run_scoped3A : memref<!tpu.dma_semaphore, #tpu.memory_space<semaphore_mem>>) src(%arg8 : memref<120x512xf32, #tpu.memory_space<vmem>>) dst(%dma_wait3A_58 : memref<120x512xf32, #tpu.memory_space<hbm>>)
      tpu.yield
    }) : () -> ()
    return
  }
}

module attributes {stable_mosaic.version = 14 : i64} {
  func.func @_cls_body(%arg0: memref<19x32400xf32, #tpu.memory_space<vmem>>, %arg1: memref<1x32400xi32, #tpu.memory_space<vmem>>) attributes {dimension_semantics = [], scalar_prefetch = 0 : i64, scratch_operands = 0 : i64, tpu.core_type = #tpu.core_type<tc>} {
    %get3A = arith.constant 0 : index
    %get3A_0 = arith.constant 0 : index
    %get3A_1 = vector.load %arg0[%get3A, %get3A_0] : memref<19x32400xf32, #tpu.memory_space<vmem>>, vector<19x32400xf32>
    %iota3A = tpu.iota {dimensions = array<i32: 0>} : vector<19x32400xi32>
    %reduce_max3A = arith.constant dense<0xFF800000> : vector<32400xf32>
    %reduce_max3A_2 = vector.multi_reduction <maximumf>, %get3A_1, %reduce_max3A [0] : vector<19x32400xf32> to vector<32400xf32>
    %broadcast_in_dim3A = vector.shape_cast %reduce_max3A_2 : vector<32400xf32> to vector<1x32400xf32>
    %eq3A = vector.broadcast %broadcast_in_dim3A : vector<1x32400xf32> to vector<19x32400xf32>
    %eq3A_3 = arith.cmpf oeq, %get3A_1, %eq3A : vector<19x32400xf32>
    %jit3A = arith.constant 19 : i32
    %broadcast_in_dim3A_4 = vector.broadcast %jit3A : i32 to vector<19x32400xi32>
    %select_n3A = arith.select %eq3A_3, %iota3A, %broadcast_in_dim3A_4 : vector<19x32400xi1>, vector<19x32400xi32>
    %reduce_min3A = arith.constant dense<2147483647> : vector<32400xi32>
    %reduce_min3A_5 = vector.multi_reduction <minsi>, %select_n3A, %reduce_min3A [0] : vector<19x32400xi32> to vector<32400xi32>
    %broadcast_in_dim3A_6 = vector.shape_cast %reduce_min3A_5 : vector<32400xi32> to vector<1x32400xi32>
    %swap3A = arith.constant 0 : index
    %swap3A_7 = arith.constant 0 : index
    %swap3A_8 = vector.load %arg1[%swap3A, %swap3A_7] : memref<1x32400xi32, #tpu.memory_space<vmem>>, vector<1x32400xi32>
    tpu.vector_store %arg1[%swap3A, %swap3A_7], %broadcast_in_dim3A_6 {strides = array<i32>} : memref<1x32400xi32, #tpu.memory_space<vmem>>, vector<1x32400xi32>,
    return
  }
}

module attributes {stable_mosaic.version = 14 : i64} {
  func.func @_tc_body(%arg0: i32, %arg1: memref<3840x512xf32, #tpu.memory_space<vmem>>, %arg2: memref<3840x1xi32, #tpu.memory_space<vmem>>, %arg3: memref<32x512xf32, #tpu.memory_space<vmem>>, %arg4: memref<600x1xf32, #tpu.memory_space<vmem>>, %arg5: memref<600x1xf32, #tpu.memory_space<vmem>>) attributes {dimension_semantics = [#tpu.dimension_semantics<arbitrary>], iteration_bounds = array<i64: 6>, scalar_prefetch = 0 : i64, scratch_operands = 0 : i64, tpu.core_type = #tpu.core_type<tc>, window_params = [{pipeline_mode = #tpu.pipeline_mode<synchronous>, transform_indices = @transform_0, window_bounds = array<i64: 3840, 512>}, {pipeline_mode = #tpu.pipeline_mode<synchronous>, transform_indices = @transform_1, window_bounds = array<i64: 3840, 1>}, {pipeline_mode = #tpu.pipeline_mode<synchronous>, transform_indices = @transform_2, window_bounds = array<i64: 32, 512>}, {transform_indices = @transform_3, window_bounds = array<i64: 600, 1>}, {transform_indices = @transform_4, window_bounds = array<i64: 600, 1>}]} {
    %get3A = arith.constant 0 : index
    %get3A_0 = arith.constant 0 : index
    %get3A_1 = vector.load %arg1[%get3A, %get3A_0] : memref<3840x512xf32, #tpu.memory_space<vmem>>, vector<3600x512xf32>
    %mul3A = arith.constant 600 : i32
    %mul3A_2 = arith.muli %arg0, %mul3A : i32
    %get3A_3 = arith.index_cast %mul3A_2 : i32 to index
    %get3A_4 = arith.constant 0 : index
    %get3A_5 = vector.load %arg1[%get3A_3, %get3A_4] : memref<3840x512xf32, #tpu.memory_space<vmem>>, vector<600x512xf32>
    %broadcast_in_dim3A = arith.constant 1.000000e+00 : f32
    %broadcast_in_dim3A_6 = vector.broadcast %broadcast_in_dim3A : f32 to vector<1x512xf32>
    %dot_general3A = arith.constant dense<0.000000e+00> : vector<600x3600xf32>
    %dot_general3A_7 = tpu.matmul %get3A_5, %get3A_1, %dot_general3A {dimension_numbers = #tpu.dot_dimension_numbers<[1], [1], [0], [0], [0, 0, 1, 0], [], []>, transpose_lhs_hint = false} : vector<600x512xf32>, vector<3600x512xf32>, vector<600x3600xf32> -> vector<600x3600xf32>
    %mul3A_8 = arith.mulf %get3A_5, %get3A_5 : vector<600x512xf32>
    %reduce_sum3A = arith.constant dense<0.000000e+00> : vector<600xf32>
    %reduce_sum3A_9 = vector.multi_reduction <add>, %mul3A_8, %reduce_sum3A [1] : vector<600x512xf32> to vector<600xf32>
    %broadcast_in_dim3A_10 = vector.shape_cast %reduce_sum3A_9 : vector<600xf32> to vector<600x1xf32>
    %mul3A_11 = arith.mulf %get3A_1, %get3A_1 : vector<3600x512xf32>
    %dot_general3A_12 = arith.constant dense<0.000000e+00> : vector<1x3600xf32>
    %dot_general3A_13 = tpu.matmul %broadcast_in_dim3A_6, %mul3A_11, %dot_general3A_12 {dimension_numbers = #tpu.dot_dimension_numbers<[1], [1], [0], [0], [0, 0, 1, 0], [], []>, precision = #tpu.contract_precision<fp32>, transpose_lhs_hint = false} : vector<1x512xf32>, vector<3600x512xf32>, vector<1x3600xf32> -> vector<1x3600xf32>
    %mul3A_14 = arith.constant -2.000000e+00 : f32
    %mul3A_15 = vector.broadcast %mul3A_14 : f32 to vector<600x3600xf32>
    %mul3A_16 = arith.mulf %mul3A_15, %dot_general3A_7 : vector<600x3600xf32>
    %add3A = vector.broadcast %broadcast_in_dim3A_10 : vector<600x1xf32> to vector<600x3600xf32>
    %add3A_17 = arith.addf %mul3A_16, %add3A : vector<600x3600xf32>
    %add3A_18 = vector.broadcast %dot_general3A_13 : vector<1x3600xf32> to vector<600x3600xf32>
    %add3A_19 = arith.addf %add3A_17, %add3A_18 : vector<600x3600xf32>
    %max3A = arith.constant 9.99999996E-13 : f32
    %max3A_20 = vector.broadcast %max3A : f32 to vector<600x3600xf32>
    %max3A_21 = arith.maximumf %add3A_19, %max3A_20 : vector<600x3600xf32>
    %reduce_min3A = arith.constant dense<0x7F800000> : vector<600xf32>
    %reduce_min3A_22 = vector.multi_reduction <minimumf>, %max3A_21, %reduce_min3A [1] : vector<600x3600xf32> to vector<600xf32>
    %broadcast_in_dim3A_23 = vector.shape_cast %reduce_min3A_22 : vector<600xf32> to vector<600x1xf32>
    %le3A = vector.broadcast %broadcast_in_dim3A_23 : vector<600x1xf32> to vector<600x3600xf32>
    %le3A_24 = arith.cmpf ole, %max3A_21, %le3A : vector<600x3600xf32>
    %jit3A = arith.constant 3.000000e+38 : f32
    %broadcast_in_dim3A_25 = vector.broadcast %jit3A : f32 to vector<600x3600xf32>
    %select_n3A = arith.select %le3A_24, %broadcast_in_dim3A_25, %max3A_21 : vector<600x3600xi1>, vector<600x3600xf32>
    %reduce_min3A_26 = arith.constant dense<0x7F800000> : vector<600xf32>
    %reduce_min3A_27 = vector.multi_reduction <minimumf>, %select_n3A, %reduce_min3A_26 [1] : vector<600x3600xf32> to vector<600xf32>
    %broadcast_in_dim3A_28 = vector.shape_cast %reduce_min3A_27 : vector<600xf32> to vector<600x1xf32>
    %le3A_29 = vector.broadcast %broadcast_in_dim3A_28 : vector<600x1xf32> to vector<600x3600xf32>
    %le3A_30 = arith.cmpf ole, %select_n3A, %le3A_29 : vector<600x3600xf32>
    %jit3A_31 = arith.constant 3.000000e+38 : f32
    %broadcast_in_dim3A_32 = vector.broadcast %jit3A_31 : f32 to vector<600x3600xf32>
    %select_n3A_33 = arith.select %le3A_30, %broadcast_in_dim3A_32, %select_n3A : vector<600x3600xi1>, vector<600x3600xf32>
    %reduce_min3A_34 = arith.constant dense<0x7F800000> : vector<600xf32>
    %reduce_min3A_35 = vector.multi_reduction <minimumf>, %select_n3A_33, %reduce_min3A_34 [1] : vector<600x3600xf32> to vector<600xf32>
    %broadcast_in_dim3A_36 = vector.shape_cast %reduce_min3A_35 : vector<600xf32> to vector<600x1xf32>
    %le3A_37 = vector.broadcast %broadcast_in_dim3A_36 : vector<600x1xf32> to vector<600x3600xf32>
    %le3A_38 = arith.cmpf ole, %select_n3A_33, %le3A_37 : vector<600x3600xf32>
    %jit3A_39 = arith.constant 3.000000e+38 : f32
    %broadcast_in_dim3A_40 = vector.broadcast %jit3A_39 : f32 to vector<600x3600xf32>
    %select_n3A_41 = arith.select %le3A_38, %broadcast_in_dim3A_40, %select_n3A_33 : vector<600x3600xi1>, vector<600x3600xf32>
    %reduce_min3A_42 = arith.constant dense<0x7F800000> : vector<600xf32>
    %reduce_min3A_43 = vector.multi_reduction <minimumf>, %select_n3A_41, %reduce_min3A_42 [1] : vector<600x3600xf32> to vector<600xf32>
    %broadcast_in_dim3A_44 = vector.shape_cast %reduce_min3A_43 : vector<600xf32> to vector<600x1xf32>
    %le3A_45 = vector.broadcast %broadcast_in_dim3A_44 : vector<600x1xf32> to vector<600x3600xf32>
    %le3A_46 = arith.cmpf ole, %select_n3A_41, %le3A_45 : vector<600x3600xf32>
    %jit3A_47 = arith.constant 3.000000e+38 : f32
    %broadcast_in_dim3A_48 = vector.broadcast %jit3A_47 : f32 to vector<600x3600xf32>
    %select_n3A_49 = arith.select %le3A_46, %broadcast_in_dim3A_48, %select_n3A_41 : vector<600x3600xi1>, vector<600x3600xf32>
    %reduce_min3A_50 = arith.constant dense<0x7F800000> : vector<600xf32>
    %reduce_min3A_51 = vector.multi_reduction <minimumf>, %select_n3A_49, %reduce_min3A_50 [1] : vector<600x3600xf32> to vector<600xf32>
    %broadcast_in_dim3A_52 = vector.shape_cast %reduce_min3A_51 : vector<600xf32> to vector<600x1xf32>
    %le3A_53 = vector.broadcast %broadcast_in_dim3A_52 : vector<600x1xf32> to vector<600x3600xf32>
    %le3A_54 = arith.cmpf ole, %select_n3A_49, %le3A_53 : vector<600x3600xf32>
    %jit3A_55 = arith.constant 3.000000e+38 : f32
    %broadcast_in_dim3A_56 = vector.broadcast %jit3A_55 : f32 to vector<600x3600xf32>
    %select_n3A_57 = arith.select %le3A_54, %broadcast_in_dim3A_56, %select_n3A_49 : vector<600x3600xi1>, vector<600x3600xf32>
    %reduce_min3A_58 = arith.constant dense<0x7F800000> : vector<600xf32>
    %reduce_min3A_59 = vector.multi_reduction <minimumf>, %select_n3A_57, %reduce_min3A_58 [1] : vector<600x3600xf32> to vector<600xf32>
    %broadcast_in_dim3A_60 = vector.shape_cast %reduce_min3A_59 : vector<600xf32> to vector<600x1xf32>
    %le3A_61 = vector.broadcast %broadcast_in_dim3A_60 : vector<600x1xf32> to vector<600x3600xf32>
    %le3A_62 = arith.cmpf ole, %select_n3A_57, %le3A_61 : vector<600x3600xf32>
    %jit3A_63 = arith.constant 3.000000e+38 : f32
    %broadcast_in_dim3A_64 = vector.broadcast %jit3A_63 : f32 to vector<600x3600xf32>
    %select_n3A_65 = arith.select %le3A_62, %broadcast_in_dim3A_64, %select_n3A_57 : vector<600x3600xi1>, vector<600x3600xf32>
    %reduce_min3A_66 = arith.constant dense<0x7F800000> : vector<600xf32>
    %reduce_min3A_67 = vector.multi_reduction <minimumf>, %select_n3A_65, %reduce_min3A_66 [1] : vector<600x3600xf32> to vector<600xf32>
    %broadcast_in_dim3A_68 = vector.shape_cast %reduce_min3A_67 : vector<600xf32> to vector<600x1xf32>
    %le3A_69 = vector.broadcast %broadcast_in_dim3A_68 : vector<600x1xf32> to vector<600x3600xf32>
    %le3A_70 = arith.cmpf ole, %select_n3A_65, %le3A_69 : vector<600x3600xf32>
    %jit3A_71 = arith.constant 3.000000e+38 : f32
    %broadcast_in_dim3A_72 = vector.broadcast %jit3A_71 : f32 to vector<600x3600xf32>
    %select_n3A_73 = arith.select %le3A_70, %broadcast_in_dim3A_72, %select_n3A_65 : vector<600x3600xi1>, vector<600x3600xf32>
    %reduce_min3A_74 = arith.constant dense<0x7F800000> : vector<600xf32>
    %reduce_min3A_75 = vector.multi_reduction <minimumf>, %select_n3A_73, %reduce_min3A_74 [1] : vector<600x3600xf32> to vector<600xf32>
    %broadcast_in_dim3A_76 = vector.shape_cast %reduce_min3A_75 : vector<600xf32> to vector<600x1xf32>
    %le3A_77 = vector.broadcast %broadcast_in_dim3A_76 : vector<600x1xf32> to vector<600x3600xf32>
    %le3A_78 = arith.cmpf ole, %select_n3A_73, %le3A_77 : vector<600x3600xf32>
    %jit3A_79 = arith.constant 3.000000e+38 : f32
    %broadcast_in_dim3A_80 = vector.broadcast %jit3A_79 : f32 to vector<600x3600xf32>
    %select_n3A_81 = arith.select %le3A_78, %broadcast_in_dim3A_80, %select_n3A_73 : vector<600x3600xi1>, vector<600x3600xf32>
    %reduce_min3A_82 = arith.constant dense<0x7F800000> : vector<600xf32>
    %reduce_min3A_83 = vector.multi_reduction <minimumf>, %select_n3A_81, %reduce_min3A_82 [1] : vector<600x3600xf32> to vector<600xf32>
    %broadcast_in_dim3A_84 = vector.shape_cast %reduce_min3A_83 : vector<600xf32> to vector<600x1xf32>
    %le3A_85 = vector.broadcast %broadcast_in_dim3A_84 : vector<600x1xf32> to vector<600x3600xf32>
    %le3A_86 = arith.cmpf ole, %max3A_21, %le3A_85 : vector<600x3600xf32>
    %convert_element_type3A = arith.extui %le3A_86 : vector<600x3600xi1> to vector<600x3600xi32>
    %convert_element_type3A_87 = arith.sitofp %convert_element_type3A : vector<600x3600xi32> to vector<600x3600xf32>
    %convert_element_type3A_88 = arith.truncf %convert_element_type3A_87 : vector<600x3600xf32> to vector<600x3600xbf16>
    %iota3A = tpu.iota {dimensions = array<i32: 1>} : vector<3600x32xi32>
    %get3A_89 = arith.constant 0 : index
    %get3A_90 = arith.constant 0 : index
    %get3A_91 = vector.load %arg2[%get3A_89, %get3A_90] : memref<3840x1xi32, #tpu.memory_space<vmem>>, vector<3600x1xi32>
    %eq3A = vector.broadcast %get3A_91 : vector<3600x1xi32> to vector<3600x32xi32>
    %eq3A_92 = arith.cmpi eq, %iota3A, %eq3A : vector<3600x32xi32>
    %convert_element_type3A_93 = arith.extui %eq3A_92 : vector<3600x32xi1> to vector<3600x32xi32>
    %convert_element_type3A_94 = arith.sitofp %convert_element_type3A_93 : vector<3600x32xi32> to vector<3600x32xf32>
    %convert_element_type3A_95 = arith.truncf %convert_element_type3A_94 : vector<3600x32xf32> to vector<3600x32xbf16>
    %dot_general3A_96 = arith.constant dense<0.000000e+00> : vector<600x32xf32>
    %dot_general3A_97 = tpu.matmul %convert_element_type3A_88, %convert_element_type3A_95, %dot_general3A_96 {dimension_numbers = #tpu.dot_dimension_numbers<[1], [0], [0], [1], [0, 0, 1, 1], [], []>, transpose_lhs_hint = false} : vector<600x3600xbf16>, vector<3600x32xbf16>, vector<600x32xf32> -> vector<600x32xf32>
    %reduce_sum3A_98 = arith.constant dense<0.000000e+00> : vector<600xf32>
    %reduce_sum3A_99 = vector.multi_reduction <add>, %dot_general3A_97, %reduce_sum3A_98 [1] : vector<600x32xf32> to vector<600xf32>
    %broadcast_in_dim3A_100 = vector.shape_cast %reduce_sum3A_99 : vector<600xf32> to vector<600x1xf32>
    %div3A = vector.broadcast %broadcast_in_dim3A_100 : vector<600x1xf32> to vector<600x32xf32>
    %div3A_101 = arith.divf %dot_general3A_97, %div3A : vector<600x32xf32>
    %neg3A = arith.constant 0.000000e+00 : f32
    %neg3A_102 = vector.broadcast %neg3A : f32 to vector<600x32xf32>
    %neg3A_103 = arith.subf %neg3A_102, %div3A_101 : vector<600x32xf32>
    %add3A_104 = arith.constant 9.99999997E-7 : f32
    %add3A_105 = vector.broadcast %add3A_104 : f32 to vector<600x32xf32>
    %add3A_106 = arith.addf %div3A_101, %add3A_105 : vector<600x32xf32>
    %log3A = math.log %add3A_106 : vector<600x32xf32>
    %mul3A_107 = arith.mulf %neg3A_103, %log3A : vector<600x32xf32>
    %reduce_sum3A_108 = arith.constant dense<0.000000e+00> : vector<600xf32>
    %reduce_sum3A_109 = vector.multi_reduction <add>, %mul3A_107, %reduce_sum3A_108 [1] : vector<600x32xf32> to vector<600xf32>
    %broadcast_in_dim3A_110 = vector.shape_cast %reduce_sum3A_109 : vector<600xf32> to vector<600x1xf32>
    %div3A_111 = arith.constant 2.94443893 : f32
    %div3A_112 = vector.broadcast %div3A_111 : f32 to vector<600x1xf32>
    %div3A_113 = arith.divf %broadcast_in_dim3A_110, %div3A_112 : vector<600x1xf32>
    %swap3A = arith.constant 0 : index
    %swap3A_114 = arith.constant 0 : index
    %swap3A_115 = vector.load %arg4[%swap3A, %swap3A_114] : memref<600x1xf32, #tpu.memory_space<vmem>>, vector<600x1xf32>
    tpu.vector_store %arg4[%swap3A, %swap3A_114], %div3A_113 {strides = array<i32>} : memref<600x1xf32, #tpu.memory_space<vmem>>, vector<600x1xf32>,
    %get3A_116 = arith.constant 0 : index
    %get3A_117 = arith.constant 0 : index
    %get3A_118 = vector.load %arg3[%get3A_116, %get3A_117] : memref<32x512xf32, #tpu.memory_space<vmem>>, vector<32x512xf32>
    %mul3A_119 = arith.mulf %get3A_118, %get3A_118 : vector<32x512xf32>
    %dot_general3A_120 = arith.constant dense<0.000000e+00> : vector<1x32xf32>
    %dot_general3A_121 = tpu.matmul %broadcast_in_dim3A_6, %mul3A_119, %dot_general3A_120 {dimension_numbers = #tpu.dot_dimension_numbers<[1], [1], [0], [0], [0, 0, 1, 0], [], []>, precision = #tpu.contract_precision<fp32>, transpose_lhs_hint = false} : vector<1x512xf32>, vector<32x512xf32>, vector<1x32xf32> -> vector<1x32xf32>
    %dot_general3A_122 = arith.constant dense<0.000000e+00> : vector<600x32xf32>
    %dot_general3A_123 = tpu.matmul %get3A_5, %get3A_118, %dot_general3A_122 {dimension_numbers = #tpu.dot_dimension_numbers<[1], [1], [0], [0], [0, 0, 1, 0], [], []>, transpose_lhs_hint = false} : vector<600x512xf32>, vector<32x512xf32>, vector<600x32xf32> -> vector<600x32xf32>
    %mul3A_124 = arith.constant -2.000000e+00 : f32
    %mul3A_125 = vector.broadcast %mul3A_124 : f32 to vector<600x32xf32>
    %mul3A_126 = arith.mulf %mul3A_125, %dot_general3A_123 : vector<600x32xf32>
    %add3A_127 = vector.broadcast %broadcast_in_dim3A_10 : vector<600x1xf32> to vector<600x32xf32>
    %add3A_128 = arith.addf %mul3A_126, %add3A_127 : vector<600x32xf32>
    %add3A_129 = vector.broadcast %dot_general3A_121 : vector<1x32xf32> to vector<600x32xf32>
    %add3A_130 = arith.addf %add3A_128, %add3A_129 : vector<600x32xf32>
    %max3A_131 = arith.constant 9.99999996E-13 : f32
    %max3A_132 = vector.broadcast %max3A_131 : f32 to vector<600x32xf32>
    %max3A_133 = arith.maximumf %add3A_130, %max3A_132 : vector<600x32xf32>
    %iota3A_134 = tpu.iota {dimensions = array<i32: 1>} : vector<600x32xi32>
    %lt3A = arith.constant 19 : i32
    %lt3A_135 = vector.broadcast %lt3A : i32 to vector<600x32xi32>
    %lt3A_136 = arith.cmpi slt, %iota3A_134, %lt3A_135 : vector<600x32xi32>
    %jit3A_137 = arith.constant 3.000000e+38 : f32
    %broadcast_in_dim3A_138 = vector.broadcast %jit3A_137 : f32 to vector<600x32xf32>
    %select_n3A_139 = arith.select %lt3A_136, %max3A_133, %broadcast_in_dim3A_138 : vector<600x32xi1>, vector<600x32xf32>
    %mul3A_140 = arith.constant 600 : i32
    %mul3A_141 = arith.muli %arg0, %mul3A_140 : i32
    %get3A_142 = arith.index_cast %mul3A_141 : i32 to index
    %get3A_143 = arith.constant 0 : index
    %get3A_144 = vector.load %arg2[%get3A_142, %get3A_143] : memref<3840x1xi32, #tpu.memory_space<vmem>>, vector<600x1xi32>
    %eq3A_145 = vector.broadcast %get3A_144 : vector<600x1xi32> to vector<600x32xi32>
    %eq3A_146 = arith.cmpi eq, %iota3A_134, %eq3A_145 : vector<600x32xi32>
    %jit3A_147 = arith.constant 0.000000e+00 : f32
    %broadcast_in_dim3A_148 = vector.broadcast %jit3A_147 : f32 to vector<600x32xf32>
    %select_n3A_149 = arith.select %eq3A_146, %select_n3A_139, %broadcast_in_dim3A_148 : vector<600x32xi1>, vector<600x32xf32>
    %reduce_sum3A_150 = arith.constant dense<0.000000e+00> : vector<600xf32>
    %reduce_sum3A_151 = vector.multi_reduction <add>, %select_n3A_149, %reduce_sum3A_150 [1] : vector<600x32xf32> to vector<600xf32>
    %broadcast_in_dim3A_152 = vector.shape_cast %reduce_sum3A_151 : vector<600xf32> to vector<600x1xf32>
    %lt3A_153 = vector.broadcast %broadcast_in_dim3A_152 : vector<600x1xf32> to vector<600x32xf32>
    %lt3A_154 = arith.cmpf olt, %select_n3A_139, %lt3A_153 : vector<600x32xf32>
    %convert_element_type3A_155 = arith.extui %lt3A_154 : vector<600x32xi1> to vector<600x32xi32>
    %convert_element_type3A_156 = arith.sitofp %convert_element_type3A_155 : vector<600x32xi32> to vector<600x32xf32>
    %reduce_sum3A_157 = arith.constant dense<0.000000e+00> : vector<600xf32>
    %reduce_sum3A_158 = vector.multi_reduction <add>, %convert_element_type3A_156, %reduce_sum3A_157 [1] : vector<600x32xf32> to vector<600xf32>
    %broadcast_in_dim3A_159 = vector.shape_cast %reduce_sum3A_158 : vector<600xf32> to vector<600x1xf32>
    %div3A_160 = arith.constant 1.800000e+01 : f32
    %div3A_161 = vector.broadcast %div3A_160 : f32 to vector<600x1xf32>
    %div3A_162 = arith.divf %broadcast_in_dim3A_159, %div3A_161 : vector<600x1xf32>
    %swap3A_163 = arith.constant 0 : index
    %swap3A_164 = arith.constant 0 : index
    %swap3A_165 = vector.load %arg5[%swap3A_163, %swap3A_164] : memref<600x1xf32, #tpu.memory_space<vmem>>, vector<600x1xf32>
    tpu.vector_store %arg5[%swap3A_163, %swap3A_164], %div3A_162 {strides = array<i32>} : memref<600x1xf32, #tpu.memory_space<vmem>>, vector<600x1xf32>,
    return
  }
  func.func @transform_0(%arg0: i32) -> (i32, i32) {
    %c0_i32 = arith.constant 0 : i32
    %c0_i32_0 = arith.constant 0 : i32
    %c0_i32_1 = arith.constant 0 : i32
    return %c0_i32, %c0_i32_0 : i32, i32
  }
  func.func @transform_1(%arg0: i32) -> (i32, i32) {
    %c0_i32 = arith.constant 0 : i32
    %c0_i32_0 = arith.constant 0 : i32
    %c0_i32_1 = arith.constant 0 : i32
    return %c0_i32, %c0_i32_0 : i32, i32
  }
  func.func @transform_2(%arg0: i32) -> (i32, i32) {
    %c0_i32 = arith.constant 0 : i32
    %c0_i32_0 = arith.constant 0 : i32
    %c0_i32_1 = arith.constant 0 : i32
    return %c0_i32, %c0_i32_0 : i32, i32
  }
  func.func @transform_3(%arg0: i32) -> (i32, i32) {
    %c0_i32 = arith.constant 0 : i32
    %c0_i32_0 = arith.constant 0 : i32
    return %arg0, %c0_i32 : i32, i32
  }
  func.func @transform_4(%arg0: i32) -> (i32, i32) {
    %c0_i32 = arith.constant 0 : i32
    %c0_i32_0 = arith.constant 0 : i32
    return %arg0, %c0_i32 : i32, i32
  }
}

</mosaic_0001>

<sc_bundles>
// kernel: kernel.6.cloned.1.call-start
scs
__scs_entry_jumppad:
0x0: {  	(pc) =	sbr.rel $0x88, $3  }
0x1: {  	(tag) =	ssettag $0x0;
	lr =	simm.s32 $0x1  }
0x2: {  	[smem:$0x3F9E] =	sst lr;
	_ =	strace $0xD0000000  }
0x3: {  	_ = 	snop  }
0x4: {  	_ = 	snop  }
0x5: {  	_ = 	snop  }
0x6: {  	_ = 	snop  }
0x7: {  	_ = 	snop  }
__scs_overlays_trampoline_lowered:
0x8: {  	[smem:$0x3FAD] =	sst s0  }
0x9: {  	[smem:$0x3FAE] =	sst s1  }
0xa: {  	[smem:$0x3FAF] =	sst s2  }
0xb: {  	[smem:$0x3FB0] =	sst s3  }
0xc: {  	[smem:$0x3FB1] =	sst s4  }
0xd: {  	[smem:$0x3FB2] =	sst s5  }
0xe: {  	[smem:$0x3FB3] =	sst s6  }
0xf: {  	[smem:$0x3FB4] =	sst s7  }
0x10: {  	[smem:$0x3FB5] =	sst s8  }
0x11: {  	[smem:$0x3FB6] =	sst s9;
	s0 =	simm.s32 @!p0 $0x0  }
0x12: {  	s1 =	sld [smem:$0x3F9C];
	s0 =	simm.s32 @p0 $0x1  }
0x13: {  	[smem:$0x3FB7] =	sst s0;
	s0 =	simm.s32 @!p1 $0x0  }
0x14: {  	s2 =	sld [smem:$0x3F9B];
	s0 =	simm.s32 @p1 $0x1  }
0x15: {  	[smem:$0x3FB8] =	sst s0;
	s0 =	simm.s32 @!p2 $0x0  }
0x16: {  	s3 =	sld [smem:$0x3FDB];
	s0 =	simm.s32 @p2 $0x1  }
0x17: {  	s4 =	simm.s32 $0x1BF5;
	[smem:$0x3FBA] =	sst s0  }
0x18: {  	s0 =	sld [smem:$0x3F9D];
	_ =	swait.ge [sflag:s4], $0x0  }
0x19: {  	s7 =	sld [smem:$0x3F9E]  }
0x1a: {  	s8 =	sadd.s32 $0xFFFFE003, lr  }
0x1b: {  	s9 =	sadd.s32 $0xFFFFFEF7, lr;
	s5 =	simm.s32 $0xFFFFFFFF;
	p2 =	slt.u32 s8, $0xFFFFF086  }
0x1c: {  	p1 =	slt.u32 s9, $0xF7A;
	s5 =	simm.s32 @!p2 $0x0  }
0x1d: {  	s5 =	simm.s32 @p1 $0x1;
	p0 =	seq.s32 s7, s2  }
0x1e: {  	s7 =	smul.u32 @!p0 $0xF7A, s2;
	p2 =	seq.s32 @!p0 s5, $0x0  }
0x1f: {  	s9 =	smul.u32 $0xF7A, s1;
	s8 =	simm.s32 @!p0 $0x1BF5;
	p2 =	por !p2, p0  }
0x20: {  	[sflag:s8] =	ssyncset.s32 @!p0 $0xFFFFF086;
	s6 =	sadd.s32 @!p0 s3, s7;
	s7 =	simm.s32 @!p0 $0x108  }
0x21: {  	s3 =	sadd.s32 s3, s9;
	s6 =	sadd.s32 @!p0 $0x88, s6;
	s7 =	simm.s32 @p2 $0x1082  }
0x22: {  	[simem:s7], [sflag:s8] =	dma.local @!p0 [hbm:s6], $0xF7A  }
0x23: {  	s9 =	sor.u32 $0xD0000000, s2;
	s6 =	simm.s32 $0x108;
	_ =	swait.ge @!p0 [sflag:s8], $0x0  }
0x24: {  	s3 =	sadd.s32 $0x88, s3;
	s6 =	simm.s32 @!p1 $0x1082;
	[sflag:s4] =	ssyncset.s32 $0xFFFFF086  }
0x25: {  	[simem:s6], [sflag:s4] =	dma.local [hbm:s3], $0xF7A  }
0x26: {  	[smem:$0x3F9E] =	sst s1;
	(tag) =	ssettag s2;
	_ =	strace s9  }
0x27: {  	s1 =	sld [smem:$0x3FAE]  }
0x28: {  	s2 =	sld [smem:$0x3FAF]  }
0x29: {  	s4 =	sld [smem:$0x3FB1]  }
0x2a: {  	p0 =	seq.s32 s5, $0x0;
	s5 =	sld [smem:$0x3FB2]  }
0x2b: {  	s6 =	sld [smem:$0x3FB3]  }
0x2c: {  	s7 =	sld [smem:$0x3FB4]  }
0x2d: {  	s3 =	simm.s32 $0x108;
	s8 =	sld [smem:$0x3FB5]  }
0x2e: {  	s3 =	simm.s32 @!p0 $0x1082;
	s9 =	sld [smem:$0x3FB6]  }
0x2f: {  	lr =	sadd.s32 s0, s3;
	s0 =	sld [smem:$0x3FAD]  }
0x30: {  	s3 =	sld [smem:$0x3FB0]  }
0x31: {  	[smem:$0x3FB9] =	sst s10  }
0x32: {  	s10 =	sld [smem:$0x3FB7];
	_ =	sdelay $0x3  }
0x33: {  	p0 =	seq.s32 s10, $0x1;
	s10 =	sld [smem:$0x3FB9];
	_ =	sdelay $0x3  }
0x34: {  	[smem:$0x3FB9] =	sst s10  }
0x35: {  	s10 =	sld [smem:$0x3FB8];
	_ =	sdelay $0x3  }
0x36: {  	p1 =	seq.s32 s10, $0x1;
	s10 =	sld [smem:$0x3FB9];
	_ =	sdelay $0x3  }
0x37: {  	[smem:$0x3FB9] =	sst s10  }
0x38: {  	s10 =	sld [smem:$0x3FBA]  }
0x39: {  	_ = 	snop;
	(pc) =	sbr.ind lr, $3  }
0x3a: {  	_ = 	snop  }
0x3b: {  	_ = 	snop  }
0x3c: {  	p2 =	seq.s32 s10, $0x1;
	s10 =	sld [smem:$0x3FB9]  }
0x3d: {  	_ =	shalt  }
0x3e: {  	_ =	shalt  }
0x3f: {  	_ =	shalt  }
0x40: {  	_ =	shalt  }
0x41: {  	_ =	shalt  }
0x42: {  	_ =	shalt  }
0x43: {  	_ =	shalt  }
0x44: {  	_ =	shalt  }
0x45: {  	_ =	shalt  }
0x46: {  	_ =	shalt  }
0x47: {  	_ =	shalt  }
0x48: {  	_ =	shalt  }
0x49: {  	_ =	shalt  }
0x4a: {  	_ =	shalt  }
0x4b: {  	_ =	shalt  }
0x4c: {  	_ =	shalt  }
0x4d: {  	_ =	shalt  }
0x4e: {  	_ =	shalt  }
0x4f: {  	_ =	shalt  }
0x50: {  	_ =	shalt  }
0x51: {  	_ =	shalt  }
0x52: {  	_ =	shalt  }
0x53: {  	_ =	shalt  }
0x54: {  	_ =	shalt  }
0x55: {  	_ =	shalt  }
0x56: {  	_ =	shalt  }
0x57: {  	_ =	shalt  }
0x58: {  	_ =	shalt  }
0x59: {  	_ =	shalt  }
0x5a: {  	_ =	shalt  }
0x5b: {  	_ =	shalt  }
0x5c: {  	_ =	shalt  }
0x5d: {  	_ =	shalt  }
0x5e: {  	_ =	shalt  }
0x5f: {  	_ =	shalt  }
0x60: {  	_ =	shalt  }
0x61: {  	_ =	shalt  }
0x62: {  	_ =	shalt  }
0x63: {  	_ =	shalt  }
0x64: {  	_ =	shalt  }
0x65: {  	_ =	shalt  }
0x66: {  	_ =	shalt  }
0x67: {  	_ =	shalt  }
0x68: {  	_ =	shalt  }
0x69: {  	_ =	shalt  }
0x6a: {  	_ =	shalt  }
0x6b: {  	_ =	shalt  }
0x6c: {  	_ =	shalt  }
0x6d: {  	_ =	shalt  }
0x6e: {  	_ =	shalt  }
0x6f: {  	_ =	shalt  }
0x70: {  	_ =	shalt  }
0x71: {  	_ =	shalt  }
0x72: {  	_ =	shalt  }
0x73: {  	_ =	shalt  }
0x74: {  	_ =	shalt  }
0x75: {  	_ =	shalt  }
0x76: {  	_ =	shalt  }
0x77: {  	_ =	shalt  }
0x78: {  	_ =	shalt  }
0x79: {  	_ =	shalt  }
0x7a: {  	_ =	shalt  }
0x7b: {  	_ =	shalt  }
0x7c: {  	_ =	shalt  }
0x7d: {  	_ =	shalt  }
0x7e: {  	_ =	shalt  }
0x7f: {  	_ =	shalt  }
0x80: {  	_ =	shalt  }
0x81: {  	_ =	shalt  }
0x82: {  	_ =	shalt  }
0x83: {  	_ =	shalt  }
0x84: {  	_ =	shalt  }
0x85: {  	_ =	shalt  }
0x86: {  	_ =	shalt  }
0x87: {  	_ =	shalt  }
.Lfunc_end0:
.L_simem_size_0:
called_computation_lowered:
.L_overlay_start_0:
0x88: {  	s2 =	sld [smem:$0x3FD9]  }
0x89: {  	s3 =	sld [smem:$0x3FFE];
	_ =	sdelay $0x1  }
0x8a: {  	s1 =	srdreg.scid  }
0x8b: {  	s0 =	sand.u32 $0x1, s1  }
0x8c: {  	s14 =	sshll.u32 s0, $0xA;
	s2 =	sadd.s32 s3, s2  }
0x8d: {  	s2 =	sadd.s32 s2, s14  }
0x8e: {  	[smem:$0x3FC5] =	sst s2  }
0x8f: {  	_ = 	snop  }
0x90: {  	s2 =	sld [smem:$0x3FD0];
	_ =	sdelay $0x2  }
0x91: {  	s4 =	simm.s32 $0xA;
	s5 =	simm.s32 $0x10;
	s15 =	sld [smem:$0x3FC9]  }
0x92: {  	[smem:s5], [sflag:s4] =	dma.local [hbm:s2], $0x1  }
0x93: {  	_ =	swait.eq [sflag:s4], $0x1  }
0x94: {  	[sflag:s4] =	ssyncset.done $0x0  }
0x95: {  	s16 =	sld [smem:$0x10];
	[sflag:s4] =	ssyncadd.s32 $0xFFFFFFFF  }
0x96: {  	s17 =	sld [smem:$0x11];
	(tm) =	ssettm $0x1  }
0x97: {  	s18 =	sld [smem:$0x3FFB];
	_ =	sdelay $0x3  }
0x98: {  	_ =	strace s18  }
0x99: {  	s5 =	sld [smem:$0x3FFC];
	_ =	sdelay $0x3  }
0x9a: {  	_ =	strace s5  }
0x9b: {  	s5 =	sld [smem:$0x3FFD];
	_ =	sdelay $0x3  }
0x9c: {  	_ =	strace s5  }
0x9d: {  	_ =	strace $0x8FFFFFFF  }
0x9e: {  	s19 =	sld [smem:$0x3FDB];
	_ =	sdelay $0x1  }
0x9f: {  	s6 =	simm.s32 $_scs_section_size  }
0xa0: {  	s7 =	simm.s32 $_size__tile_overlayer_lowered;
	s8 =	simm.s32 $_tile_overlayer_lowered  }
0xa1: {  	s22 =	simm.s32 $0x1BFF;
	s21 =	sshll.u32 s8, $0x1;
	s5 =	sadd.s32 s6, s19  }
0xa2: {  	s9 =	simm.s32 $0x0;
	s20 =	sshll.u32 s7, $0x1;
	s7 =	sadd.s32 s21, s5  }
0xa3: {  	[timem:s9], [sflag:s22] =	dma.local [hbm:s7], s20  }
0xa4: {  	_ =	swait.ge [sflag:s22], s20  }
0xa5: {  	s6 =	ssub.s32 $0x0, s20;
	[sflag:s22] =	ssyncset.done $0x0  }
0xa6: {  	[sflag:s22] =	ssyncadd.s32 s6;
	_ =	sdelay $0x1  }
0xa7: {  	s23 =	simm.s32 $0x1B8B  }
0xa8: {  	_ =	swait.ge [sflag:s23], $0x1  }
0xa9: {  	[sflag:s23] =	ssyncset.done $0x0  }
0xaa: {  	s25 =	simm.s32 $0x1B8E;
	s24 =	sld [smem:$0x3FFE];
	[sflag:s23] =	ssyncadd.s32 $0xFFFFFFFF  }
0xab: {  	s26 =	simm.s32 $execute0_lowered;
	[smem:$0x3FD2] =	sst s25  }
0xac: {  	s7 =	sshll.u32 s26, $0x1;
	_ =	strace $0x80000046;
	[dreg:$0x1] =	wrdreg $0xFFFFFFFF  }
0xad: {  	s28 =	simm.s32 $_size_execute0_lowered;
	s5 =	sadd.s32 s5, s7;
	[dreg:$0x0] =	wrdreg $0x0  }
0xae: {  	s7 =	sshll.u32 s28, $0x1;
	[dreg:$0x2] =	wrdreg s5  }
0xaf: {  	[dreg:$0x3] =	wrdreg s7  }
0xb0: {  	[dreg:$0x4] =	wrdreg $0xC0  }
0xb1: {  	_ =	task [dreg:s9], $0x5FFFF  }
0xb2: {  	[dreg:$0x1] =	wrdreg $0xFFFFFFFF  }
0xb3: {  	[dreg:$0x0] =	wrdreg $0x60  }
0xb4: {  	[dreg:$0x2] =	wrdreg s15  }
0xb5: {  	[dreg:$0x3] =	wrdreg s16  }
0xb6: {  	[dreg:$0x4] =	wrdreg s24  }
0xb7: {  	[dreg:$0x5] =	wrdreg s17  }
0xb8: {  	[dreg:$0x6] =	wrdreg $0x9  }
0xb9: {  	_ =	task.clear_ibuf [dreg:s9], $0x7FFFF;
	_ =	strace $0x90000046  }
0xba: {  	s29 =	simm.s32 $0x9;
	_ =	strace $0x80000048  }
0xbb: {  	_ =	swait.ge [sflag:s29], $0x1  }
0xbc: {  	[sflag:s29] =	ssyncadd.s32 $0xFFFFFFFF  }
0xbd: {  	_ =	strace $0x90000048  }
0xbe: {  	_ =	sfence  }
0xbf: {  	s30 =	sld [smem:$0x0];
	_ =	sdelay $0x2  }
0xc0: {  	s31 =	sshll.u32 s1, $0xD;
	s1 =	sshrl.u32 s1, $0x2  }
0xc1: {  	s3 =	sand.u32 $0x4000, s31;
	s1 =	sadd.s32 s1, s30  }
0xc2: {  	s0 =	sor.u32 s3, s0;
	s1 =	sshll.u32 s1, $0x11  }
0xc3: {  	s0 =	sor.u32 s1, s0  }
0xc4: {  	s0 =	sadd.s32 $0x8F2B, s0  }
0xc5: {  	[sflag:s0] =	ssyncadd.remote.s32 $0x1  }
0xc6: {  	_ =	sfence.sel $0xFFFF  }
0xc7: {  	[dreg:$0x0] =	wrdreg $0xFFFFFFFF;
	(pc) =	sbr.abs _section_cstart, $3  }
0xc8: {  	[dreg:$0x1] =	wrdreg $0xFFFFFFFF  }
0xc9: {  	_ =	task.clear_ibuf [dreg:s9], $0x2FFFF;
	_ =	strace $0x9FFFFFFF  }
0xca: {  	(tm) =	ssettm $0x7FFFFFFF  }
0xcb: {  	_ =	shalt  }
tec
execute0_lowered:
.L_overlay_start_1:
0x0: {  	(tag) =	ssettag $0x1  }
0x1: {  	s1 =	rddreg [dreg:$0x0]  }
0x2: {  	s2 =	rddreg [dreg:$0x1];
	s3 =	srdreg.scid  }
0x3: {  	s0 =	stileid.u32;
	s4 =	rddreg [dreg:$0x2]  }
0x4: {  	s6 =	rddreg [dreg:$0x3];
	s18 =	simm.s32 $0x880;
	s19 =	simm.s32 $0x1080  }
0x5: {  	s20 =	simm.s32 $0x1880;
	s21 =	simm.s32 $0x2080;
	s23 =	simm.s32 $0x2880  }
0x6: {  	s24 =	simm.s32 $0x3080;
	s25 =	simm.s32 $0x3880;
	s26 =	simm.s32 $0x4080  }
0x7: {  	s9 =	simm.s32 $0x5080;
	s10 =	simm.s32 $0x5880;
	s11 =	simm.s32 $0x6080  }
0x8: {  	[dreg:$0x5] =	wrdreg s2;
	s15 =	sand.u32 $0x1, s3;
	s3 =	simm.s32 $0x0  }
0x9: {  	s12 =	simm.s32 $0x6880;
	s13 =	simm.s32 $0x7080;
	[smem:$0x7FF] =	sst s3  }
0xa: {  	s14 =	simm.s32 $0x7880;
	_ =	strace $0x80000047;
	[dreg:$0x9] =	wrdreg s18  }
0xb: {  	s28 =	simm.s32 $0xE080;
	s29 =	simm.s32 $0xE880;
	[dreg:$0xa] =	wrdreg s19  }
0xc: {  	s30 =	simm.s32 $0xF080;
	s16 =	sshll.u32 s0, $0x1;
	[dreg:$0xb] =	wrdreg s20  }
0xd: {  	s31 =	simm.s32 $0x16F80;
	s5 =	sor.u32 s15, s16;
	[dreg:$0xc] =	wrdreg s21  }
0xe: {  	s2 =	ssub.s32 $0x2, s15;
	s15 =	simm.s32 $0x8080;
	[dreg:$0xd] =	wrdreg s23  }
0xf: {  	s16 =	simm.s32 $0x8880;
	s7 =	smul.u32 $0xF, s5;
	[dreg:$0xe] =	wrdreg s24  }
0x10: {  	s5 =	smul.u32 $0x1E00, s5;
	s22 =	sshrl.u32 s2, $0x1;
	[dreg:$0xf] =	wrdreg s25  }
0x11: {  	[dreg:$0x10] =	wrdreg s26;
	s18 =	simm.s32 $0x9880;
	s19 =	simm.s32 $0xA080  }
0x12: {  	s20 =	simm.s32 $0xA880;
	s21 =	simm.s32 $0xB080;
	s23 =	simm.s32 $0xC080  }
0x13: {  	s24 =	simm.s32 $0xC880;
	s25 =	simm.s32 $0xD080;
	s26 =	simm.s32 $0xD880  }
0x14: {  	s2 =	ssub.s32 s2, s22;
	s22 =	simm.s32 $0xB880;
	s4 =	sadd.s32 s7, s4  }
0x15: {  	s17 =	sadd.s32 s6, s5;
	s5 =	smax.u32 s2, $0x1;
	s6 =	simm.s32 $0x2  }
0x16: {  	v3 =	vlaneseq.u32;
	s2 =	simm.s32 $0x1;
	s7 =	sadd.s32 $0x600, s4;
	[dreg:$0x8] =	wrdreg s17  }
0x17: {  	v0 =	vimm.s32 $0x0;
	vm0 =	vmmov $0xffff;
	v2 =	vshrl.u32 v3, $0x3;
	s4 =	sadd.s32 $0x800, s4;
	s17 =	simm.s32 $0x9080;
	[dreg:$0x6] =	wrdreg s7  }
0x18: {  	v1 =	vand.u32 $0x7, v3;
	v3 =	vor.u32 $0x8, v3;
	v2 =	vmul.u32 $0x8, v2;
	[dreg:$0x7] =	wrdreg s4;
	s4 =	sadd.s32 $0x100, s1;
	s7 =	simm.s32 $0x80  }
.LBB2_1:
0x19: {  	s0 =	rddreg [dreg:$0x6];
	[tilespmem:$0x70] =	vst v0  }
0x1a: {  	[tilespmem:s3], [sflag:$0x2] =	stream.linear.gather [hbm4b:s0+s3], $0x78, $0x38;
	[tilespmem:$0x17000] =	vst v63  }
0x1b: {  	_ =	swait.ge [sflag:s6], $0x78  }
0x1c: {  	[sflag:s6] =	ssyncset.done $0x0  }
0x1d: {  	[sflag:s6] =	ssyncadd.s32 $0xFFFFFF88  }
0x1e: {  	v4 =	vld [tilespmem:$0x0];
	_ =	sdelay $0x4  }
0x1f: {  	v5 =	vshll.u32 v4, $0x2  }
0x20: {  	v4 =	vand.u32 $0x7, v4;
	v5 =	vand.u32 $0xFFFFFFE0, v5  }
0x21: {  	v4 =	vor.u32 v4, v5  }
0x22: {  	v5 =	vperm.xlane v4, v1;
	_ =	sdelay $0x1  }
0x23: {  	v5 =	vadd.s32 v2, v5;
	_ =	sdelay $0x1  }
0x24: {  	v4 =	vperm.xlane v4, v3;
	_ =	sdelay $0x1  }
0x25: {  	v4 =	vadd.s32 v2, v4  }
0x26: {  	[tilespmem:s7], [sflag:$0x1] =	stream.indirect_vreg.gather [hbm4b:s1+s3], $0x80, v5, vm0, $0xb8;
	[tilespmem:$0x17000] =	vst v63  }
0x27: {  	s0 =	rddreg [dreg:$0x9]  }
0x28: {  	[tilespmem:s0], [sflag:$0x1] =	stream.indirect_vreg.gather [hbm4b:s4+s3], $0x80, v5, vm0, $0xb8;
	[tilespmem:$0x17000] =	vst v63  }
0x29: {  	s8 =	rddreg [dreg:$0xa]  }
0x2a: {  	[tilespmem:s8], [sflag:$0x1] =	stream.indirect_vreg.gather [hbm4b:s1+s3], $0x80, v4, vm0, $0xb8;
	[tilespmem:$0x17000] =	vst v63  }
0x2b: {  	s0 =	rddreg [dreg:$0xb]  }
0x2c: {  	[tilespmem:s0], [sflag:$0x1] =	stream.indirect_vreg.gather [hbm4b:s4+s3], $0x80, v4, vm0, $0xb8;
	[tilespmem:$0x17000] =	vst v63  }
0x2d: {  	v4 =	vld [tilespmem:$0x10];
	_ =	sdelay $0x4  }
0x2e: {  	v5 =	vshll.u32 v4, $0x2  }
0x2f: {  	v4 =	vand.u32 $0x7, v4;
	v5 =	vand.u32 $0xFFFFFFE0, v5  }
0x30: {  	v4 =	vor.u32 v4, v5  }
0x31: {  	v5 =	vperm.xlane v4, v1;
	_ =	sdelay $0x1  }
0x32: {  	v5 =	vadd.s32 v2, v5;
	_ =	sdelay $0x1  }
0x33: {  	v4 =	vperm.xlane v4, v3;
	_ =	sdelay $0x1  }
0x34: {  	s0 =	rddreg [dreg:$0xc];
	v4 =	vadd.s32 v2, v4  }
0x35: {  	[tilespmem:s0], [sflag:$0x1] =	stream.indirect_vreg.gather [hbm4b:s1+s3], $0x80, v5, vm0, $0xb8;
	[tilespmem:$0x17000] =	vst v63  }
0x36: {  	s8 =	rddreg [dreg:$0xd]  }
0x37: {  	[tilespmem:s8], [sflag:$0x1] =	stream.indirect_vreg.gather [hbm4b:s4+s3], $0x80, v5, vm0, $0xb8;
	[tilespmem:$0x17000] =	vst v63  }
0x38: {  	s0 =	rddreg [dreg:$0xe]  }
0x39: {  	[tilespmem:s0], [sflag:$0x1] =	stream.indirect_vreg.gather [hbm4b:s1+s3], $0x80, v4, vm0, $0xb8;
	[tilespmem:$0x17000] =	vst v63  }
0x3a: {  	s8 =	rddreg [dreg:$0xf]  }
0x3b: {  	[tilespmem:s8], [sflag:$0x1] =	stream.indirect_vreg.gather [hbm4b:s4+s3], $0x80, v4, vm0, $0xb8;
	[tilespmem:$0x17000] =	vst v63  }
0x3c: {  	v4 =	vld [tilespmem:$0x20];
	_ =	sdelay $0x4  }
0x3d: {  	v5 =	vshll.u32 v4, $0x2  }
0x3e: {  	v4 =	vand.u32 $0x7, v4;
	v5 =	vand.u32 $0xFFFFFFE0, v5  }
0x3f: {  	v4 =	vor.u32 v4, v5  }
0x40: {  	v5 =	vperm.xlane v4, v1;
	_ =	sdelay $0x1  }
0x41: {  	v5 =	vadd.s32 v2, v5;
	_ =	sdelay $0x1  }
0x42: {  	v4 =	vperm.xlane v4, v3;
	_ =	sdelay $0x1  }
0x43: {  	s8 =	rddreg [dreg:$0x10];
	v4 =	vadd.s32 v2, v4  }
0x44: {  	[tilespmem:s8], [sflag:$0x1] =	stream.indirect_vreg.gather [hbm4b:s1+s3], $0x80, v5, vm0, $0xb8;
	[tilespmem:$0x17000] =	vst v63  }
0x45: {  	s8 =	simm.s32 $0x4880  }
0x46: {  	[tilespmem:s8], [sflag:$0x1] =	stream.indirect_vreg.gather [hbm4b:s4+s3], $0x80, v5, vm0, $0xb8;
	[tilespmem:$0x17000] =	vst v63  }
0x47: {  	_ = 	snop  }
0x48: {  	[tilespmem:s9], [sflag:$0x1] =	stream.indirect_vreg.gather [hbm4b:s1+s3], $0x80, v4, vm0, $0xb8;
	[tilespmem:$0x17000] =	vst v63  }
0x49: {  	_ = 	snop  }
0x4a: {  	[tilespmem:s10], [sflag:$0x1] =	stream.indirect_vreg.gather [hbm4b:s4+s3], $0x80, v4, vm0, $0xb8;
	[tilespmem:$0x17000] =	vst v63  }
0x4b: {  	v4 =	vld [tilespmem:$0x30];
	_ =	sdelay $0x4  }
0x4c: {  	v5 =	vshll.u32 v4, $0x2  }
0x4d: {  	v4 =	vand.u32 $0x7, v4;
	v5 =	vand.u32 $0xFFFFFFE0, v5  }
0x4e: {  	v4 =	vor.u32 v4, v5  }
0x4f: {  	v5 =	vperm.xlane v4, v1;
	_ =	sdelay $0x1  }
0x50: {  	v5 =	vadd.s32 v2, v5;
	_ =	sdelay $0x1  }
0x51: {  	v4 =	vperm.xlane v4, v3;
	_ =	sdelay $0x1  }
0x52: {  	v4 =	vadd.s32 v2, v4  }
0x53: {  	[tilespmem:s11], [sflag:$0x1] =	stream.indirect_vreg.gather [hbm4b:s1+s3], $0x80, v5, vm0, $0xb8;
	[tilespmem:$0x17000] =	vst v63  }
0x54: {  	_ = 	snop  }
0x55: {  	[tilespmem:s12], [sflag:$0x1] =	stream.indirect_vreg.gather [hbm4b:s4+s3], $0x80, v5, vm0, $0xb8;
	[tilespmem:$0x17000] =	vst v63  }
0x56: {  	_ = 	snop  }
0x57: {  	[tilespmem:s13], [sflag:$0x1] =	stream.indirect_vreg.gather [hbm4b:s1+s3], $0x80, v4, vm0, $0xb8;
	[tilespmem:$0x17000] =	vst v63  }
0x58: {  	_ = 	snop  }
0x59: {  	[tilespmem:s14], [sflag:$0x1] =	stream.indirect_vreg.gather [hbm4b:s4+s3], $0x80, v4, vm0, $0xb8;
	[tilespmem:$0x17000] =	vst v63  }
0x5a: {  	v4 =	vld [tilespmem:$0x40];
	_ =	sdelay $0x4  }
0x5b: {  	v5 =	vshll.u32 v4, $0x2  }
0x5c: {  	v4 =	vand.u32 $0x7, v4;
	v5 =	vand.u32 $0xFFFFFFE0, v5  }
0x5d: {  	v4 =	vor.u32 v4, v5  }
0x5e: {  	v5 =	vperm.xlane v4, v1;
	_ =	sdelay $0x1  }
0x5f: {  	v5 =	vadd.s32 v2, v5;
	_ =	sdelay $0x1  }
0x60: {  	v4 =	vperm.xlane v4, v3;
	_ =	sdelay $0x1  }
0x61: {  	v4 =	vadd.s32 v2, v4  }
0x62: {  	[tilespmem:s15], [sflag:$0x1] =	stream.indirect_vreg.gather [hbm4b:s1+s3], $0x80, v5, vm0, $0xb8;
	[tilespmem:$0x17000] =	vst v63  }
0x63: {  	_ = 	snop  }
0x64: {  	[tilespmem:s16], [sflag:$0x1] =	stream.indirect_vreg.gather [hbm4b:s4+s3], $0x80, v5, vm0, $0xb8;
	[tilespmem:$0x17000] =	vst v63  }
0x65: {  	_ = 	snop  }
0x66: {  	[tilespmem:s17], [sflag:$0x1] =	stream.indirect_vreg.gather [hbm4b:s1+s3], $0x80, v4, vm0, $0xb8;
	[tilespmem:$0x17000] =	vst v63  }
0x67: {  	_ = 	snop  }
0x68: {  	[tilespmem:s18], [sflag:$0x1] =	stream.indirect_vreg.gather [hbm4b:s4+s3], $0x80, v4, vm0, $0xb8;
	[tilespmem:$0x17000] =	vst v63  }
0x69: {  	v4 =	vld [tilespmem:$0x50];
	_ =	sdelay $0x4  }
0x6a: {  	v5 =	vshll.u32 v4, $0x2  }
0x6b: {  	v4 =	vand.u32 $0x7, v4;
	v5 =	vand.u32 $0xFFFFFFE0, v5  }
0x6c: {  	v4 =	vor.u32 v4, v5  }
0x6d: {  	v5 =	vperm.xlane v4, v1;
	_ =	sdelay $0x1  }
0x6e: {  	v5 =	vadd.s32 v2, v5;
	_ =	sdelay $0x1  }
0x6f: {  	v4 =	vperm.xlane v4, v3;
	_ =	sdelay $0x1  }
0x70: {  	v4 =	vadd.s32 v2, v4  }
0x71: {  	[tilespmem:s19], [sflag:$0x1] =	stream.indirect_vreg.gather [hbm4b:s1+s3], $0x80, v5, vm0, $0xb8;
	[tilespmem:$0x17000] =	vst v63  }
0x72: {  	_ = 	snop  }
0x73: {  	[tilespmem:s20], [sflag:$0x1] =	stream.indirect_vreg.gather [hbm4b:s4+s3], $0x80, v5, vm0, $0xb8;
	[tilespmem:$0x17000] =	vst v63  }
0x74: {  	_ = 	snop  }
0x75: {  	[tilespmem:s21], [sflag:$0x1] =	stream.indirect_vreg.gather [hbm4b:s1+s3], $0x80, v4, vm0, $0xb8;
	[tilespmem:$0x17000] =	vst v63  }
0x76: {  	_ = 	snop  }
0x77: {  	[tilespmem:s22], [sflag:$0x1] =	stream.indirect_vreg.gather [hbm4b:s4+s3], $0x80, v4, vm0, $0xb8;
	[tilespmem:$0x17000] =	vst v63  }
0x78: {  	v4 =	vld [tilespmem:$0x60];
	_ =	sdelay $0x4  }
0x79: {  	v5 =	vshll.u32 v4, $0x2  }
0x7a: {  	v4 =	vand.u32 $0x7, v4;
	v5 =	vand.u32 $0xFFFFFFE0, v5  }
0x7b: {  	v4 =	vor.u32 v4, v5  }
0x7c: {  	v5 =	vperm.xlane v4, v1;
	_ =	sdelay $0x1  }
0x7d: {  	v5 =	vadd.s32 v2, v5;
	_ =	sdelay $0x1  }
0x7e: {  	v4 =	vperm.xlane v4, v3;
	_ =	sdelay $0x1  }
0x7f: {  	v4 =	vadd.s32 v2, v4  }
0x80: {  	[tilespmem:s23], [sflag:$0x1] =	stream.indirect_vreg.gather [hbm4b:s1+s3], $0x80, v5, vm0, $0xb8;
	[tilespmem:$0x17000] =	vst v63  }
0x81: {  	_ = 	snop  }
0x82: {  	[tilespmem:s24], [sflag:$0x1] =	stream.indirect_vreg.gather [hbm4b:s4+s3], $0x80, v5, vm0, $0xb8;
	[tilespmem:$0x17000] =	vst v63  }
0x83: {  	_ = 	snop  }
0x84: {  	[tilespmem:s25], [sflag:$0x1] =	stream.indirect_vreg.gather [hbm4b:s1+s3], $0x80, v4, vm0, $0xb8;
	[tilespmem:$0x17000] =	vst v63  }
0x85: {  	_ = 	snop  }
0x86: {  	[tilespmem:s26], [sflag:$0x1] =	stream.indirect_vreg.gather [hbm4b:s4+s3], $0x80, v4, vm0, $0xb8;
	[tilespmem:$0x17000] =	vst v63  }
0x87: {  	v4 =	vld.msk [tilespmem:$0x70], $0xff;
	_ =	sdelay $0x4  }
0x88: {  	v5 =	vshll.u32 v4, $0x2  }
0x89: {  	v4 =	vand.u32 $0x7, v4;
	v5 =	vand.u32 $0xFFFFFFE0, v5  }
0x8a: {  	v4 =	vor.u32 v4, v5  }
0x8b: {  	v4 =	vperm.xlane v4, v1;
	_ =	sdelay $0x1  }
0x8c: {  	v4 =	vadd.s32 v2, v4;
	_ =	sdelay $0x4  }
0x8d: {  	[tilespmem:s28], [sflag:$0x1] =	stream.indirect_vreg.gather [hbm4b:s1+s3], $0x80, v4, vm0, $0xb8;
	[tilespmem:$0x17000] =	vst v63  }
0x8e: {  	_ = 	snop  }
0x8f: {  	[tilespmem:s29], [sflag:$0x1] =	stream.indirect_vreg.gather [hbm4b:s4+s3], $0x80, v4, vm0, $0xb8;
	[tilespmem:$0x17000] =	vst v63  }
0x90: {  	s8 =	rddreg [dreg:$0x5]  }
0x91: {  	[tilespmem:s30], [sflag:$0x2] =	stream.linear.gather [hbm4b:s8+s3], $0x7F00, $0x38;
	[tilespmem:$0x17000] =	vst v63  }
0x92: {  	_ =	swait.ge [sflag:s6], $0x7F00  }
0x93: {  	[sflag:s6] =	ssyncset.done $0x0  }
0x94: {  	[sflag:s6] =	ssyncadd.s32 $0xFFFF8100  }
0x95: {  	v4 =	vld [tilespmem:$0x0];
	_ =	sdelay $0x5  }
0x96: {  	v5 =	vld [tilespmem:$0x10];
	_ =	sdelay $0x1  }
0x97: {  	v4 =	vld.idx.msk [tilespmem:v4+s30+$0x0], $0xffff;
	_ =	sdelay $0x3  }
0x98: {  	v6 =	vld [tilespmem:$0x20]  }
0x99: {  	[tilespmem:$0x16F80] =	vst v4  }
0x9a: {  	v4 =	vld.idx.msk [tilespmem:v5+s30+$0x0], $0xffff;
	_ =	sdelay $0x3  }
0x9b: {  	v5 =	vld [tilespmem:$0x30]  }
0x9c: {  	[tilespmem:$0x16F90] =	vst v4  }
0x9d: {  	v4 =	vld.idx.msk [tilespmem:v6+s30+$0x0], $0xffff;
	_ =	sdelay $0x3  }
0x9e: {  	v62 =	vld [tilespmem:$0x40]  }
0x9f: {  	[tilespmem:$0x16FA0] =	vst v4  }
0xa0: {  	v4 =	vld.idx.msk [tilespmem:v5+s30+$0x0], $0xffff;
	_ =	sdelay $0x3  }
0xa1: {  	v5 =	vld [tilespmem:$0x50]  }
0xa2: {  	[tilespmem:$0x16FB0] =	vst v4  }
0xa3: {  	v4 =	vld.idx.msk [tilespmem:v62+s30+$0x0], $0xffff;
	_ =	sdelay $0x3  }
0xa4: {  	v63 =	vld [tilespmem:$0x60]  }
0xa5: {  	[tilespmem:$0x16FC0] =	vst v4  }
0xa6: {  	v4 =	vld.idx.msk [tilespmem:v5+s30+$0x0], $0xffff;
	_ =	sdelay $0x3  }
0xa7: {  	v5 =	vld [tilespmem:$0x70]  }
0xa8: {  	[tilespmem:$0x16FD0] =	vst v4  }
0xa9: {  	v4 =	vld.idx.msk [tilespmem:v63+s30+$0x0], $0xffff;
	_ =	sdelay $0x4  }
0xaa: {  	[tilespmem:$0x16FE0] =	vst v4  }
0xab: {  	v4 =	vld.idx.msk [tilespmem:v5+s30+$0x0], $0xffff;
	_ =	sdelay $0x4  }
0xac: {  	s8 =	rddreg [dreg:$0x7];
	[tilespmem:$0x16FF0] =	vst v4  }
0xad: {  	[hbm4b:s8+s3] =	stream.linear.scatter [tilespmem:s31], [sflag:$0x2], $0x78, $0x38;
	[tilespmem:$0x17000] =	vst v63  }
0xae: {  	_ =	swait.ge [sflag:s6], $0x78  }
0xaf: {  	[sflag:s6] =	ssyncset.done $0x0  }
0xb0: {  	[sflag:s6] =	ssyncadd.s32 $0xFFFFFF88  }
0xb1: {  	_ =	swait.ge [sflag:s2], $0xF000  }
0xb2: {  	p0 =	sne.s32 s5, $0x1;
	[sflag:s2] =	ssyncset.done $0x0  }
.Ltmp0:
0xb3: {  	s8 =	rddreg [dreg:$0x8];
	[sflag:s2] =	ssyncadd.s32 $0xFFFF1000;
	(pc) =	sbr.rel @p0 .LBB2_1-.Ltmp0, $4  }
0xb4: {  	[hbm4b:s8+s3] =	stream.linear.scatter [tilespmem:s7], [sflag:$0x2], $0xF000, $0x38;
	[tilespmem:$0x17000] =	vst v63  }
0xb5: {  	_ =	swait.ge [sflag:s6], $0xF000  }
0xb6: {  	[sflag:s6] =	ssyncset.done $0x0  }
0xb7: {  	s5 =	sadd.s32 $0xFFFFFFFF, s5;
	[sflag:s6] =	ssyncadd.s32 $0xFFFF1000  }
0xb8: {  	_ =	sfence.sel $0x180000  }
0xb9: {  	[bflag:$0x0] =	sbarrier.arrive $0xFFFF  }
0xba: {  	_ =	strace $0x90000047  }
0xbb: {  	s0 =	stileid.u32;
	[bflag:$0x2] =	sbarrier.arrive $0xFFFF  }
0xbc: {  	p0 =	sne.s32 s0, $0x0;
	s0 =	rddreg [dreg:$0x4]  }
0xbd: {  	s0 =	sadd.s32 @!p0 $0x100000, s0  }
0xbe: {  	[sflag:s0] =	ssyncadd.tile.s32 @!p0 $0x1;
	_ =	shalt  }
.Lfunc_end2:
_tile_overlayer_lowered:
.L_overlay_start_2:
0xbf: {  	(tag) =	ssettag $0x2  }
0xc0: {  	s0 =	rddreg [dreg:$0x0];
	s2 =	stileid.u32  }
0xc1: {  	s1 =	rddreg [dreg:$0x1];
	p0 =	sne.s32 s2, $0x0  }
0xc2: {  	s3 =	rddreg [dreg:$0x2];
	[bflag:$0x3] =	sbarrier.arrive $0xFFFF;
	s2 =	simm.s32 @!p0 $0x1C02  }
0xc3: {  	[timem:s3], [sflag:s2] =	dma.local @!p0 [hbm:s0], s1  }
0xc4: {  	s0 =	simm.s32 @!p0 $0x2  }
0xc5: {  	_ =	swait.ge @!p0 [sflag:s0], s1  }
0xc6: {  	s1 =	ssub.s32 @!p0 $0x0, s1;
	[sflag:s0] =	ssyncset.done @!p0 $0x0  }
0xc7: {  	[sflag:s0] =	ssyncadd.s32 @!p0 s1  }
0xc8: {  	[bflag:$0x3] =	sbarrier.arrive $0xFFFF  }
0xc9: {  	_ =	shalt  }

// kernel: kernel.9.cloned.1.call-start
scs
__scs_entry_jumppad:
0x0: {  	(pc) =	sbr.rel $0x88, $3  }
0x1: {  	(tag) =	ssettag $0x0;
	lr =	simm.s32 $0x1  }
0x2: {  	[smem:$0x3F9E] =	sst lr;
	_ =	strace $0xD0000000  }
0x3: {  	_ = 	snop  }
0x4: {  	_ = 	snop  }
0x5: {  	_ = 	snop  }
0x6: {  	_ = 	snop  }
0x7: {  	_ = 	snop  }
__scs_overlays_trampoline_lowered:
0x8: {  	[smem:$0x3FAD] =	sst s0  }
0x9: {  	[smem:$0x3FAE] =	sst s1  }
0xa: {  	[smem:$0x3FAF] =	sst s2  }
0xb: {  	[smem:$0x3FB0] =	sst s3  }
0xc: {  	[smem:$0x3FB1] =	sst s4  }
0xd: {  	[smem:$0x3FB2] =	sst s5  }
0xe: {  	[smem:$0x3FB3] =	sst s6  }
0xf: {  	[smem:$0x3FB4] =	sst s7  }
0x10: {  	[smem:$0x3FB5] =	sst s8  }
0x11: {  	[smem:$0x3FB6] =	sst s9;
	s0 =	simm.s32 @!p0 $0x0  }
0x12: {  	s1 =	sld [smem:$0x3F9C];
	s0 =	simm.s32 @p0 $0x1  }
0x13: {  	[smem:$0x3FB7] =	sst s0;
	s0 =	simm.s32 @!p1 $0x0  }
0x14: {  	s2 =	sld [smem:$0x3F9B];
	s0 =	simm.s32 @p1 $0x1  }
0x15: {  	[smem:$0x3FB8] =	sst s0;
	s0 =	simm.s32 @!p2 $0x0  }
0x16: {  	s3 =	sld [smem:$0x3FDB];
	s0 =	simm.s32 @p2 $0x1  }
0x17: {  	s4 =	simm.s32 $0x1BF5;
	[smem:$0x3FBA] =	sst s0  }
0x18: {  	s0 =	sld [smem:$0x3F9D];
	_ =	swait.ge [sflag:s4], $0x0  }
0x19: {  	s7 =	sld [smem:$0x3F9E]  }
0x1a: {  	s8 =	sadd.s32 $0xFFFFE003, lr  }
0x1b: {  	s9 =	sadd.s32 $0xFFFFFEF7, lr;
	s5 =	simm.s32 $0xFFFFFFFF;
	p2 =	slt.u32 s8, $0xFFFFF086  }
0x1c: {  	p1 =	slt.u32 s9, $0xF7A;
	s5 =	simm.s32 @!p2 $0x0  }
0x1d: {  	s5 =	simm.s32 @p1 $0x1;
	p0 =	seq.s32 s7, s2  }
0x1e: {  	s7 =	smul.u32 @!p0 $0xF7A, s2;
	p2 =	seq.s32 @!p0 s5, $0x0  }
0x1f: {  	s9 =	smul.u32 $0xF7A, s1;
	s8 =	simm.s32 @!p0 $0x1BF5;
	p2 =	por !p2, p0  }
0x20: {  	[sflag:s8] =	ssyncset.s32 @!p0 $0xFFFFF086;
	s6 =	sadd.s32 @!p0 s3, s7;
	s7 =	simm.s32 @!p0 $0x108  }
0x21: {  	s3 =	sadd.s32 s3, s9;
	s6 =	sadd.s32 @!p0 $0x88, s6;
	s7 =	simm.s32 @p2 $0x1082  }
0x22: {  	[simem:s7], [sflag:s8] =	dma.local @!p0 [hbm:s6], $0xF7A  }
0x23: {  	s9 =	sor.u32 $0xD0000000, s2;
	s6 =	simm.s32 $0x108;
	_ =	swait.ge @!p0 [sflag:s8], $0x0  }
0x24: {  	s3 =	sadd.s32 $0x88, s3;
	s6 =	simm.s32 @!p1 $0x1082;
	[sflag:s4] =	ssyncset.s32 $0xFFFFF086  }
0x25: {  	[simem:s6], [sflag:s4] =	dma.local [hbm:s3], $0xF7A  }
0x26: {  	[smem:$0x3F9E] =	sst s1;
	(tag) =	ssettag s2;
	_ =	strace s9  }
0x27: {  	s1 =	sld [smem:$0x3FAE]  }
0x28: {  	s2 =	sld [smem:$0x3FAF]  }
0x29: {  	s4 =	sld [smem:$0x3FB1]  }
0x2a: {  	p0 =	seq.s32 s5, $0x0;
	s5 =	sld [smem:$0x3FB2]  }
0x2b: {  	s6 =	sld [smem:$0x3FB3]  }
0x2c: {  	s7 =	sld [smem:$0x3FB4]  }
0x2d: {  	s3 =	simm.s32 $0x108;
	s8 =	sld [smem:$0x3FB5]  }
0x2e: {  	s3 =	simm.s32 @!p0 $0x1082;
	s9 =	sld [smem:$0x3FB6]  }
0x2f: {  	lr =	sadd.s32 s0, s3;
	s0 =	sld [smem:$0x3FAD]  }
0x30: {  	s3 =	sld [smem:$0x3FB0]  }
0x31: {  	[smem:$0x3FB9] =	sst s10  }
0x32: {  	s10 =	sld [smem:$0x3FB7];
	_ =	sdelay $0x3  }
0x33: {  	p0 =	seq.s32 s10, $0x1;
	s10 =	sld [smem:$0x3FB9];
	_ =	sdelay $0x3  }
0x34: {  	[smem:$0x3FB9] =	sst s10  }
0x35: {  	s10 =	sld [smem:$0x3FB8];
	_ =	sdelay $0x3  }
0x36: {  	p1 =	seq.s32 s10, $0x1;
	s10 =	sld [smem:$0x3FB9];
	_ =	sdelay $0x3  }
0x37: {  	[smem:$0x3FB9] =	sst s10  }
0x38: {  	s10 =	sld [smem:$0x3FBA]  }
0x39: {  	_ = 	snop;
	(pc) =	sbr.ind lr, $3  }
0x3a: {  	_ = 	snop  }
0x3b: {  	_ = 	snop  }
0x3c: {  	p2 =	seq.s32 s10, $0x1;
	s10 =	sld [smem:$0x3FB9]  }
0x3d: {  	_ =	shalt  }
0x3e: {  	_ =	shalt  }
0x3f: {  	_ =	shalt  }
0x40: {  	_ =	shalt  }
0x41: {  	_ =	shalt  }
0x42: {  	_ =	shalt  }
0x43: {  	_ =	shalt  }
0x44: {  	_ =	shalt  }
0x45: {  	_ =	shalt  }
0x46: {  	_ =	shalt  }
0x47: {  	_ =	shalt  }
0x48: {  	_ =	shalt  }
0x49: {  	_ =	shalt  }
0x4a: {  	_ =	shalt  }
0x4b: {  	_ =	shalt  }
0x4c: {  	_ =	shalt  }
0x4d: {  	_ =	shalt  }
0x4e: {  	_ =	shalt  }
0x4f: {  	_ =	shalt  }
0x50: {  	_ =	shalt  }
0x51: {  	_ =	shalt  }
0x52: {  	_ =	shalt  }
0x53: {  	_ =	shalt  }
0x54: {  	_ =	shalt  }
0x55: {  	_ =	shalt  }
0x56: {  	_ =	shalt  }
0x57: {  	_ =	shalt  }
0x58: {  	_ =	shalt  }
0x59: {  	_ =	shalt  }
0x5a: {  	_ =	shalt  }
0x5b: {  	_ =	shalt  }
0x5c: {  	_ =	shalt  }
0x5d: {  	_ =	shalt  }
0x5e: {  	_ =	shalt  }
0x5f: {  	_ =	shalt  }
0x60: {  	_ =	shalt  }
0x61: {  	_ =	shalt  }
0x62: {  	_ =	shalt  }
0x63: {  	_ =	shalt  }
0x64: {  	_ =	shalt  }
0x65: {  	_ =	shalt  }
0x66: {  	_ =	shalt  }
0x67: {  	_ =	shalt  }
0x68: {  	_ =	shalt  }
0x69: {  	_ =	shalt  }
0x6a: {  	_ =	shalt  }
0x6b: {  	_ =	shalt  }
0x6c: {  	_ =	shalt  }
0x6d: {  	_ =	shalt  }
0x6e: {  	_ =	shalt  }
0x6f: {  	_ =	shalt  }
0x70: {  	_ =	shalt  }
0x71: {  	_ =	shalt  }
0x72: {  	_ =	shalt  }
0x73: {  	_ =	shalt  }
0x74: {  	_ =	shalt  }
0x75: {  	_ =	shalt  }
0x76: {  	_ =	shalt  }
0x77: {  	_ =	shalt  }
0x78: {  	_ =	shalt  }
0x79: {  	_ =	shalt  }
0x7a: {  	_ =	shalt  }
0x7b: {  	_ =	shalt  }
0x7c: {  	_ =	shalt  }
0x7d: {  	_ =	shalt  }
0x7e: {  	_ =	shalt  }
0x7f: {  	_ =	shalt  }
0x80: {  	_ =	shalt  }
0x81: {  	_ =	shalt  }
0x82: {  	_ =	shalt  }
0x83: {  	_ =	shalt  }
0x84: {  	_ =	shalt  }
0x85: {  	_ =	shalt  }
0x86: {  	_ =	shalt  }
0x87: {  	_ =	shalt  }
.Lfunc_end0:
.L_simem_size_0:
called_computation.1_lowered:
.L_overlay_start_0:
0x88: {  	s2 =	sld [smem:$0x3FD9]  }
0x89: {  	s3 =	sld [smem:$0x3FFE];
	_ =	sdelay $0x1  }
0x8a: {  	s1 =	srdreg.scid  }
0x8b: {  	s0 =	sand.u32 $0x1, s1  }
0x8c: {  	s14 =	sshll.u32 s0, $0xA;
	s2 =	sadd.s32 s3, s2  }
0x8d: {  	s2 =	sadd.s32 s2, s14  }
0x8e: {  	[smem:$0x3FC5] =	sst s2  }
0x8f: {  	_ = 	snop  }
0x90: {  	s2 =	sld [smem:$0x3FD0];
	_ =	sdelay $0x2  }
0x91: {  	s15 =	simm.s32 $0xA;
	s4 =	simm.s32 $0x10  }
0x92: {  	[smem:s4], [sflag:s15] =	dma.local [hbm:s2], $0x1  }
0x93: {  	_ =	swait.eq [sflag:s15], $0x1  }
0x94: {  	[sflag:s15] =	ssyncset.done $0x0  }
0x95: {  	s16 =	sld [smem:$0x10];
	[sflag:s15] =	ssyncadd.s32 $0xFFFFFFFF  }
0x96: {  	s17 =	sld [smem:$0x11];
	(tm) =	ssettm $0x1  }
0x97: {  	s18 =	sld [smem:$0x3FFB];
	_ =	sdelay $0x3  }
0x98: {  	_ =	strace s18  }
0x99: {  	s4 =	sld [smem:$0x3FFC];
	_ =	sdelay $0x3  }
0x9a: {  	_ =	strace s4  }
0x9b: {  	s4 =	sld [smem:$0x3FFD];
	_ =	sdelay $0x3  }
0x9c: {  	_ =	strace s4  }
0x9d: {  	_ =	strace $0x8FFFFFFF  }
0x9e: {  	s19 =	sld [smem:$0x3FDB];
	_ =	sdelay $0x1  }
0x9f: {  	s5 =	simm.s32 $_scs_section_size  }
0xa0: {  	s6 =	simm.s32 $_size__tile_overlayer_lowered;
	s7 =	simm.s32 $_tile_overlayer_lowered  }
0xa1: {  	s22 =	simm.s32 $0x1BFF;
	s21 =	sshll.u32 s7, $0x1;
	s4 =	sadd.s32 s5, s19  }
0xa2: {  	s8 =	simm.s32 $0x0;
	s20 =	sshll.u32 s6, $0x1;
	s6 =	sadd.s32 s21, s4  }
0xa3: {  	[timem:s8], [sflag:s22] =	dma.local [hbm:s6], s20  }
0xa4: {  	_ =	swait.ge [sflag:s22], s20  }
0xa5: {  	s5 =	ssub.s32 $0x0, s20;
	[sflag:s22] =	ssyncset.done $0x0  }
0xa6: {  	[sflag:s22] =	ssyncadd.s32 s5;
	_ =	sdelay $0x1  }
0xa7: {  	s23 =	simm.s32 $0x1B8B  }
0xa8: {  	_ =	swait.ge [sflag:s23], $0x1  }
0xa9: {  	[sflag:s23] =	ssyncset.done $0x0  }
0xaa: {  	s25 =	simm.s32 $0x1B8E;
	s24 =	sld [smem:$0x3FFE];
	[sflag:s23] =	ssyncadd.s32 $0xFFFFFFFF  }
0xab: {  	s26 =	simm.s32 $execute0_lowered;
	[smem:$0x3FD2] =	sst s25  }
0xac: {  	s6 =	sshll.u32 s26, $0x1;
	_ =	strace $0x80000049;
	[dreg:$0x1] =	wrdreg $0xFFFFFFFF  }
0xad: {  	s28 =	simm.s32 $_size_execute0_lowered;
	s4 =	sadd.s32 s4, s6;
	[dreg:$0x0] =	wrdreg $0x0  }
0xae: {  	s6 =	sshll.u32 s28, $0x1;
	[dreg:$0x2] =	wrdreg s4  }
0xaf: {  	[dreg:$0x3] =	wrdreg s6  }
0xb0: {  	[dreg:$0x4] =	wrdreg $0xC0  }
0xb1: {  	_ =	task [dreg:s8], $0x5FFFF  }
0xb2: {  	[dreg:$0x1] =	wrdreg $0xFFFFFFFF  }
0xb3: {  	[dreg:$0x0] =	wrdreg $0x60  }
0xb4: {  	[dreg:$0x2] =	wrdreg s16  }
0xb5: {  	[dreg:$0x3] =	wrdreg s24  }
0xb6: {  	[dreg:$0x4] =	wrdreg s17  }
0xb7: {  	[dreg:$0x5] =	wrdreg $0x9  }
0xb8: {  	_ =	task.clear_ibuf [dreg:s8], $0x6FFFF;
	_ =	strace $0x90000049  }
0xb9: {  	s29 =	simm.s32 $0x9;
	_ =	strace $0x8000004B  }
0xba: {  	_ =	swait.ge [sflag:s29], $0x1  }
0xbb: {  	[sflag:s29] =	ssyncadd.s32 $0xFFFFFFFF  }
0xbc: {  	_ =	strace $0x9000004B  }
0xbd: {  	_ =	sfence  }
0xbe: {  	s30 =	sld [smem:$0x0];
	_ =	sdelay $0x2  }
0xbf: {  	s31 =	sshll.u32 s1, $0xD;
	s1 =	sshrl.u32 s1, $0x2  }
0xc0: {  	s3 =	sand.u32 $0x4000, s31;
	s1 =	sadd.s32 s1, s30  }
0xc1: {  	s0 =	sor.u32 s3, s0;
	s1 =	sshll.u32 s1, $0x11  }
0xc2: {  	s0 =	sor.u32 s1, s0  }
0xc3: {  	s0 =	sadd.s32 $0x8F2B, s0  }
0xc4: {  	[sflag:s0] =	ssyncadd.remote.s32 $0x1  }
0xc5: {  	_ =	sfence.sel $0xFFFF  }
0xc6: {  	[dreg:$0x0] =	wrdreg $0xFFFFFFFF;
	(pc) =	sbr.abs _section_cstart, $3  }
0xc7: {  	[dreg:$0x1] =	wrdreg $0xFFFFFFFF  }
0xc8: {  	_ =	task.clear_ibuf [dreg:s8], $0x2FFFF;
	_ =	strace $0x9FFFFFFF  }
0xc9: {  	(tm) =	ssettm $0x7FFFFFFF  }
tec
execute0_lowered:
.L_overlay_start_1:
0x0: {  	(tag) =	ssettag $0x1  }
0x1: {  	s1 =	rddreg [dreg:$0x0]  }
0x2: {  	s11 =	rddreg [dreg:$0x1]  }
0x3: {  	s2 =	rddreg [dreg:$0x2]  }
0x4: {  	s0 =	rddreg [dreg:$0x3];
	s4 =	simm.s32 $0x0  }
0x5: {  	s5 =	srdreg.scid;
	s3 =	stileid.u32;
	s13 =	simm.s32 $0x1  }
0x6: {  	s14 =	simm.s32 $0x10C00;
	s15 =	simm.s32 $0xFD80;
	[smem:$0x7FF] =	sst s4  }
0x7: {  	s5 =	sand.u32 $0x1, s5;
	s6 =	sshll.u32 s3, $0x1;
	s7 =	sadd.s32 $0xA00, s11  }
0x8: {  	p0 =	seq.s32 s3, $0x0;
	_ =	strace $0x8000004A;
	s8 =	ssub.s32 $0x2, s5  }
.Ltmp0:
0x9: {  	s16 =	sor.u32 s5, s6;
	s5 =	sadd.s32 $0x600, s11;
	(pc) =	sbr.rel .LBB2_1-.Ltmp0, $4  }
0xa: {  	s6 =	sadd.s32 $0x800, s11;
	s11 =	sadd.s32 $0x29A4, s11;
	s10 =	smul.u32 $0x1FA4, s16  }
0xb: {  	s9 =	sshrl.u32 s8, $0x1;
	p1 =	seq.s32 s16, $0x1;
	p2 =	sne.s32 s16, $0x0  }
0xc: {  	s16 =	simm.s32 $0x0;
	s12 =	ssub.s32 s8, s9;
	s8 =	sadd.s32 s2, s10  }
0xd: {  	v0 =	vimm.f32 $0.0e+00;
	s9 =	sadd.s32 s7, s10;
	s10 =	sadd.s32 $0x1FA4, s2;
	s12 =	smax.u32 s12, $0x1  }
.LBB2_11:
0xe: {  	_ =	swait.ge [sflag:s13], $0xFD20  }
0xf: {  	[sflag:s13] =	ssyncset.done $0x0  }
0x10: {  	[sflag:s13] =	ssyncadd.s32 $0xFFFF02E0  }
.LBB2_12:
0x11: {  	s16 =	sadd.s32 $0x1, s16  }
0x12: {  	p3 =	sne.s32 s16, s12  }
.Ltmp1:
0x13: {  	_ = 	snop;
	(pc) =	sbr.rel @!p3 .LBB2_13-.Ltmp1, $1  }
0x14: {  	_ =	sdelay $0x3  }
.LBB2_1:
0x15: {  	s17 =	simm.s32 $0x50  }
0x16: {  	[tilespmem:s17+$0xFFFFFFC0] =	vst v0  }
0x17: {  	[tilespmem:s17+$0xFFFFFFD0] =	vst v0  }
0x18: {  	[tilespmem:s17+$0xFFFFFFE0] =	vst v0  }
0x19: {  	[tilespmem:s17+$0xFFFFFFF0] =	vst v0  }
0x1a: {  	[tilespmem:s17+$0x0] =	vst v0  }
0x1b: {  	[tilespmem:s17+$0x10] =	vst v0  }
0x1c: {  	[tilespmem:s17+$0x20] =	vst v0  }
0x1d: {  	s19 =	sand.u32 $0x1FFE0, s4;
	s18 =	simm.s32 $0xA0;
	[tilespmem:s17+$0xFFFFFFB0] =	vst v0  }
.LBB2_2:
0x1e: {  	p3 =	sne.s32 s18, $0xFC80;
	[tilespmem:s19+$0x80] =	vst v0  }
0x1f: {  	[tilespmem:s17+$0x40] =	vst v0;
	s17 =	sadd.s32 $0xA0, s17  }
0x20: {  	[tilespmem:s17+$0xFFFFFFC0] =	vst v0  }
0x21: {  	[tilespmem:s17+$0xFFFFFFD0] =	vst v0  }
0x22: {  	[tilespmem:s17+$0xFFFFFFE0] =	vst v0  }
.Ltmp2:
0x23: {  	[tilespmem:s17+$0xFFFFFFF0] =	vst v0;
	(pc) =	sbr.rel @p3 .LBB2_2-.Ltmp2, $4  }
0x24: {  	[tilespmem:s17+$0x0] =	vst v0  }
0x25: {  	[tilespmem:s17+$0x10] =	vst v0  }
0x26: {  	[tilespmem:s17+$0x20] =	vst v0  }
0x27: {  	s19 =	sand.u32 $0x1FFE0, s18;
	s18 =	sadd.s32 $0xA0, s18;
	[tilespmem:s17+$0xFFFFFFB0] =	vst v0  }
0x28: {  	[tilespmem:s19+$0x80] =	vst v0  }
0x29: {  	s18 =	simm.s32 @!p0 $0x1;
	[tilespmem:s17+$0x40] =	vst v0;
	s17 =	simm.s32 @!p0 $0x0  }
0x2a: {  	[hbm4b:s8+s17] =	stream.linear.scatter @!p0 [tilespmem:s17], [sflag:$0x1], $0xFD20, $0x38;
	[tilespmem:$0x11A80] =	vst v63  }
0x2b: {  	_ =	swait.ge @!p0 [sflag:s18], $0xFD20  }
0x2c: {  	[sflag:s18] =	ssyncset.done @!p0 $0x0  }
.Ltmp3:
0x2d: {  	[sflag:s18] =	ssyncadd.s32 @!p0 $0xFFFF02E0;
	(pc) =	sbr.rel @p1 .LBB2_8-.Ltmp3, $4  }
0x2e: {  	[hbm4b:s9+s17] =	stream.linear.scatter @!p0 [tilespmem:s17], [sflag:$0x1], $0xFD20, $0x38;
	[tilespmem:$0x11A80] =	vst v63  }
0x2f: {  	_ =	swait.ge @!p0 [sflag:s18], $0xFD20  }
0x30: {  	[sflag:s18] =	ssyncset.done @!p0 $0x0  }
0x31: {  	[sflag:s18] =	ssyncadd.s32 @!p0 $0xFFFF02E0  }
.Ltmp4:
0x32: {  	(pc) =	sbr.rel @p2 .LBB2_12-.Ltmp4, $1  }
0x33: {  	_ =	sdelay $0x3  }
0x34: {  	s17 =	simm.s32 $0x0  }
0x35: {  	[hbm4b:s11+s17] =	stream.linear.scatter [tilespmem:s17], [sflag:$0x1], $0xFD20, $0x38;
	[tilespmem:$0x11A80] =	vst v63  }
0x36: {  	_ =	swait.ge [sflag:s13], $0xFD20  }
0x37: {  	[sflag:s13] =	ssyncset.done $0x0  }
0x38: {  	[sflag:s13] =	ssyncadd.s32 $0xFFFF02E0  }
0x39: {  	[tilespmem:s14], [sflag:$0x1] =	stream.linear.gather [hbm4b:s6+s17], $0xE80, $0x38;
	[tilespmem:$0x11A80] =	vst v63  }
0x3a: {  	_ =	swait.ge [sflag:s13], $0xE80  }
0x3b: {  	[sflag:s13] =	ssyncset.done $0x0  }
0x3c: {  	[sflag:s13] =	ssyncadd.s32 $0xFFFFF180  }
0x3d: {  	[tilespmem:s15], [sflag:$0x1] =	stream.linear.gather [hbm4b:s1+s17], $0xE80, $0x38;
	[tilespmem:$0x11A80] =	vst v63  }
0x3e: {  	_ =	swait.ge [sflag:s13], $0xE80  }
0x3f: {  	[sflag:s13] =	ssyncset.done $0x0  }
0x40: {  	s18 =	simm.s32 $0x0;
	s17 =	simm.s32 $0x40;
	[sflag:s13] =	ssyncadd.s32 $0xFFFFF180  }
.LBB2_6:
0x41: {  	p3 =	sne.s32 s17, $0x3800;
	v1 =	vld [tilespmem:s18+$0x10C00];
	_ =	sdelay $0x2  }
0x42: {  	v2 =	vld [tilespmem:s18+$0xFD80]  }
.Ltmp5:
0x43: {  	(pc) =	sbr.rel @p3 .LBB2_6-.Ltmp5, $2  }
0x44: {  	_ =	sdelay $0x2  }
0x45: {  	s18 =	sshra.s32 s17, $0x2;
	s17 =	sadd.s32 $0x40, s17;
	[tilespmem:v1+s4+$0x0] =	vst.idx.msk $0xffff, v2  }
0x46: {  	v1 =	vld [tilespmem:s18+$0x10C00];
	_ =	sdelay $0x2  }
0x47: {  	v2 =	vld [tilespmem:s18+$0xFD80];
	_ =	sdelay $0x1  }
.Ltmp6:
0x48: {  	_ = 	snop;
	(pc) =	sbr.rel .LBB2_11-.Ltmp6, $3  }
0x49: {  	_ =	sdelay $0x1  }
0x4a: {  	[tilespmem:v1+s4+$0x0] =	vst.idx.msk $0xffff, v2  }
0x4b: {  	[hbm4b:s2+s4] =	stream.linear.scatter [tilespmem:s4], [sflag:$0x1], $0xFD20, $0x38;
	[tilespmem:$0x11A80] =	vst v63  }
.LBB2_8:
0x4c: {  	s17 =	simm.s32 $0x0  }
0x4d: {  	[hbm4b:s10+s17] =	stream.linear.scatter [tilespmem:s17], [sflag:$0x1], $0xFD20, $0x38;
	[tilespmem:$0x11A80] =	vst v63  }
0x4e: {  	_ =	swait.ge [sflag:s13], $0xFD20  }
0x4f: {  	[sflag:s13] =	ssyncset.done $0x0  }
0x50: {  	[sflag:s13] =	ssyncadd.s32 $0xFFFF02E0  }
0x51: {  	[tilespmem:s14], [sflag:$0x1] =	stream.linear.gather [hbm4b:s6+s17], $0xE80, $0x38;
	[tilespmem:$0x11A80] =	vst v63  }
0x52: {  	_ =	swait.ge [sflag:s13], $0xE80  }
0x53: {  	[sflag:s13] =	ssyncset.done $0x0  }
0x54: {  	[sflag:s13] =	ssyncadd.s32 $0xFFFFF180  }
0x55: {  	[tilespmem:s15], [sflag:$0x1] =	stream.linear.gather [hbm4b:s5+s17], $0xE80, $0x38;
	[tilespmem:$0x11A80] =	vst v63  }
0x56: {  	_ =	swait.ge [sflag:s13], $0xE80  }
0x57: {  	[sflag:s13] =	ssyncset.done $0x0  }
0x58: {  	s18 =	simm.s32 $0x0;
	s17 =	simm.s32 $0x40;
	[sflag:s13] =	ssyncadd.s32 $0xFFFFF180  }
.LBB2_9:
0x59: {  	p3 =	sne.s32 s17, $0x3800;
	v1 =	vld [tilespmem:s18+$0x10C00];
	_ =	sdelay $0x2  }
0x5a: {  	v2 =	vld [tilespmem:s18+$0xFD80]  }
.Ltmp7:
0x5b: {  	(pc) =	sbr.rel @p3 .LBB2_9-.Ltmp7, $2  }
0x5c: {  	_ =	sdelay $0x2  }
0x5d: {  	s18 =	sshra.s32 s17, $0x2;
	s17 =	sadd.s32 $0x40, s17;
	[tilespmem:v1+s4+$0x0] =	vst.idx.msk $0xffff, v2  }
0x5e: {  	v1 =	vld [tilespmem:s18+$0x10C00];
	_ =	sdelay $0x2  }
0x5f: {  	v2 =	vld [tilespmem:s18+$0xFD80];
	_ =	sdelay $0x1  }
.Ltmp8:
0x60: {  	_ = 	snop;
	(pc) =	sbr.rel .LBB2_11-.Ltmp8, $3  }
0x61: {  	_ =	sdelay $0x1  }
0x62: {  	[tilespmem:v1+s4+$0x0] =	vst.idx.msk $0xffff, v2  }
0x63: {  	[hbm4b:s7+s4] =	stream.linear.scatter [tilespmem:s4], [sflag:$0x1], $0xFD20, $0x38;
	[tilespmem:$0x11A80] =	vst v63  }
.LBB2_13:
0x64: {  	_ =	sfence.sel $0x180000  }
0x65: {  	[bflag:$0x0] =	sbarrier.arrive $0xFFFF  }
0x66: {  	p0 =	sne.s32 s3, $0x0;
	_ =	strace $0x9000004A  }
0x67: {  	s0 =	sadd.s32 @!p0 $0x100000, s0;
	[bflag:$0x2] =	sbarrier.arrive $0xFFFF  }
0x68: {  	[sflag:s0] =	ssyncadd.tile.s32 @!p0 $0x1;
	_ =	shalt  }
.Lfunc_end2:
_tile_overlayer_lowered:
.L_overlay_start_2:
0x69: {  	(tag) =	ssettag $0x2  }
0x6a: {  	s0 =	rddreg [dreg:$0x0];
	s2 =	stileid.u32  }
0x6b: {  	s1 =	rddreg [dreg:$0x1];
	p0 =	sne.s32 s2, $0x0  }
0x6c: {  	s3 =	rddreg [dreg:$0x2];
	[bflag:$0x3] =	sbarrier.arrive $0xFFFF;
	s2 =	simm.s32 @!p0 $0x1C01  }
0x6d: {  	[timem:s3], [sflag:s2] =	dma.local @!p0 [hbm:s0], s1  }
0x6e: {  	s0 =	simm.s32 @!p0 $0x1  }
0x6f: {  	_ =	swait.ge @!p0 [sflag:s0], s1  }
0x70: {  	s1 =	ssub.s32 @!p0 $0x0, s1;
	[sflag:s0] =	ssyncset.done @!p0 $0x0  }
0x71: {  	[sflag:s0] =	ssyncadd.s32 @!p0 s1  }
0x72: {  	[bflag:$0x3] =	sbarrier.arrive $0xFFFF  }
0x73: {  	_ =	shalt  }

</sc_bundles>
